<compile_context>
chip_gen: v7x
topology: tpu7x:2x2x1
jax: 0.10.2.dev20260603
libtpu: 0.0.44.dev20260713+nightly
codegen_flags: <defaults>
</compile_context>

<pallas_src>
import functools

import jax
import jax.numpy as jnp
from jax import lax
from jax.experimental import pallas as pl
from jax.experimental.pallas import tpu as pltpu
from jax.experimental.pallas import tpu_sc as plsc

NC = 2
NS = 16
NW = NC * NS
CB = 128


def _fill_2d(ref, rows, cols, value):
    per_row = cols // 16

    def body(k, carry):
        ref[k // per_row, pl.ds((k % per_row) * 16, 16)] = jnp.full(
            (16,), value, jnp.float32)
        return carry

    lax.fori_loop(0, rows * per_row, body, 0)


def _degree_partials(row3, npad, d):
    nch = row3.shape[1]
    sl = npad // NS

    mesh = plsc.VectorSubcoreMesh(core_axis_name="c", subcore_axis_name="s")

    @functools.partial(
        pl.kernel,
        out_type=jax.ShapeDtypeStruct((NC, npad, d), jnp.float32),
        mesh=mesh,
        scratch_types=[
            pltpu.VMEM((nch, CB), jnp.int32),
            pltpu.VMEM((CB, d), jnp.float32),
            pltpu.SemaphoreType.DMA,
            pltpu.VMEM_SHARED((npad, d), jnp.float32),
        ],
    )
    def hist(row_hbm, deg_out, rows_v, buf, sem, deg_sh):
        c = lax.axis_index("c")
        s = lax.axis_index("s")
        wid = c * NS + s
        _fill_2d(buf, CB, d, 0.0)

        def zrow(k, carry):
            pltpu.sync_copy(buf, deg_sh.at[pl.ds(s * sl + k * CB, CB)])
            return carry

        lax.fori_loop(0, sl // CB, zrow, 0)
        _fill_2d(buf, CB, d, 1.0)
        plsc.subcore_barrier()
        pltpu.sync_copy(row_hbm.at[wid], rows_v)

        k_fly = 4
        for j in range(k_fly):
            pltpu.async_copy(buf, deg_sh.at[rows_v.at[j]], sem, add=True)

        def chunk(j, carry):
            pltpu.make_async_copy(buf, deg_sh.at[rows_v.at[0]], sem).wait()
            pltpu.async_copy(buf, deg_sh.at[rows_v.at[j]], sem, add=True)
            return carry

        lax.fori_loop(k_fly, nch, chunk, 0)
        for _ in range(k_fly):
            pltpu.make_async_copy(buf, deg_sh.at[rows_v.at[0]], sem).wait()
        plsc.subcore_barrier()
        pltpu.sync_copy(deg_sh.at[pl.ds(s * sl, sl)],
                        deg_out.at[c, pl.ds(s * sl, sl)])

    return hist(row3)


def _scale_x(degp, x_pad):
    npad, d = x_pad.shape
    br = 1024

    def body(deg_ref, x_ref, xs_ref):
        deg = deg_ref[0, :, 0:1] + deg_ref[1, :, 0:1]
        xs_ref[...] = x_ref[...] * lax.rsqrt(deg)

    return pl.pallas_call(
        body,
        grid=(npad // br,),
        in_specs=[
            pl.BlockSpec((NC, br, d), lambda i: (0, i, 0)),
            pl.BlockSpec((br, d), lambda i: (i, 0)),
        ],
        out_specs=pl.BlockSpec((br, d), lambda i: (i, 0)),
        out_shape=jax.ShapeDtypeStruct((npad, d), jnp.float32),
    )(degp, x_pad)


def _aggregate_partials(xs, col3, row3):
    nch = col3.shape[1]
    npad, d = xs.shape
    sl = npad // NS

    mesh = plsc.VectorSubcoreMesh(core_axis_name="c", subcore_axis_name="s")

    @functools.partial(
        pl.kernel,
        out_type=jax.ShapeDtypeStruct((NC, npad, d), jnp.float32),
        mesh=mesh,
        scratch_types=[
            pltpu.VMEM((nch, CB), jnp.int32),
            pltpu.VMEM((2, CB), jnp.int32),
            pltpu.VMEM((CB, d), jnp.float32),
            pltpu.VMEM((CB, d), jnp.float32),
            pltpu.SemaphoreType.DMA,
            pltpu.SemaphoreType.DMA,
            pltpu.SemaphoreType.DMA,
            pltpu.SemaphoreType.DMA,
            pltpu.VMEM_SHARED((npad, d), jnp.float32),
        ],
    )
    def agg(xs_hbm, col_hbm, row_hbm, agg_out, cols_v, rows2, buf0, buf1,
            gsem0, gsem1, rsem0, rsem1, agg_sh):
        c = lax.axis_index("c")
        s = lax.axis_index("s")
        wid = c * NS + s
        bufs = (buf0, buf1)
        gsems = (gsem0, gsem1)
        rsems = (rsem0, rsem1)
        _fill_2d(buf0, CB, d, 0.0)

        def zrow(k, carry):
            pltpu.sync_copy(buf0, agg_sh.at[pl.ds(s * sl + k * CB, CB)])
            return carry

        lax.fori_loop(0, sl // CB, zrow, 0)
        plsc.subcore_barrier()
        pltpu.sync_copy(col_hbm.at[wid], cols_v)

        pltpu.async_copy(xs_hbm.at[cols_v.at[0]], buf0, gsem0)
        pltpu.async_copy(row_hbm.at[wid, 0], rows2.at[0], rsem0)

        def pair(g, carry):
            for b in range(2):
                j = 2 * g + b

                @pl.when(j + 1 < nch)
                def _():
                    pltpu.async_copy(
                        xs_hbm.at[cols_v.at[j + 1]], bufs[1 - b],
                        gsems[1 - b])
                    pltpu.async_copy(
                        row_hbm.at[wid, j + 1], rows2.at[1 - b],
                        rsems[1 - b])

                pltpu.make_async_copy(
                    xs_hbm.at[cols_v.at[j]], bufs[b], gsems[b]).wait()
                pltpu.make_async_copy(
                    row_hbm.at[wid, j], rows2.at[b], rsems[b]).wait()
                pltpu.sync_copy(bufs[b], agg_sh.at[rows2.at[b]], add=True)
            return carry

        lax.fori_loop(0, nch // 2, pair, 0)
        plsc.subcore_barrier()
        pltpu.sync_copy(agg_sh.at[pl.ds(s * sl, sl)],
                        agg_out.at[c, pl.ds(s * sl, sl)])

    return agg(xs, col3, row3)


def _combine(degp, aggp):
    _, npad, d = aggp.shape
    br = 1024

    def body(deg_ref, agg_ref, out_ref):
        deg = deg_ref[0, :, 0:1] + deg_ref[1, :, 0:1]
        dinv = lax.rsqrt(deg)
        out_ref[...] = (agg_ref[0] + agg_ref[1]) * (dinv * dinv * dinv)

    return pl.pallas_call(
        body,
        grid=(npad // br,),
        in_specs=[
            pl.BlockSpec((NC, br, d), lambda i: (0, i, 0)),
            pl.BlockSpec((NC, br, d), lambda i: (0, i, 0)),
        ],
        out_specs=pl.BlockSpec((br, d), lambda i: (i, 0)),
        out_shape=jax.ShapeDtypeStruct((npad, d), jnp.float32),
    )(degp, aggp)


def kernel(x, edge_index):
    n, d = x.shape
    e = edge_index.shape[1]
    per_tile = -(-e // NW // (2 * CB)) * (2 * CB)
    nch = per_tile // CB
    align = NS * CB
    npad = ((n + align - 1) // align) * align
    if npad == n:
        npad += align

    e_pad = per_tile * NW
    rows = edge_index[0]
    cols = edge_index[1]
    if e_pad != e:
        pad_iota = jnp.arange(e_pad - e, dtype=jnp.int32)
        trash = jnp.int32(n) + pad_iota % jnp.int32(npad - n)
        rows = jnp.concatenate([rows, trash])
        cols = jnp.concatenate([cols, pad_iota % jnp.int32(n)])
    row3 = rows.reshape(NW, nch, CB)
    col3 = cols.reshape(NW, nch, CB)
    x_pad = jnp.zeros((npad, d), jnp.float32).at[:n].set(x)

    degp = _degree_partials(row3, npad, d)
    xs = _scale_x(degp, x_pad)
    aggp = _aggregate_partials(xs, col3, row3)
    out = _combine(degp, aggp)
    return out[:n]

# --- scband reference (transcript-rebuilt; emitter-appended) ---
"""Pipeline reference for scband-l-p-80041010528550 (READ-ONLY COPY).

The authoritative reference and input builder live on the scoring server;
editing this copy changes nothing except your own understanding.
"""

import jax, jax.numpy as jnp
import numpy as np

N = 10000
E = 320000
D = 128


def setup_inputs(seed: int = 0) -> dict:
    key = jax.random.key(seed)
    k1, k2 = jax.random.split(key)
    x = jax.random.normal(k1, (N, D), dtype=jnp.float32)
    edge_index = jax.random.randint(k2, (2, E), 0, N, dtype=jnp.int32)
    return {"x": x, "edge_index": edge_index}


def reference(x, edge_index):
    # Faithful translation of the symmetric-normalized adjacency propagation
    # with reduce='mean':
    #   deg = adj.sum(dim=1)  (row degree)
    #   adj_norm = D^{-1/2} A D^{-1/2}
    #   out = adj_norm.matmul(x, reduce='mean')  => row-wise sum / row nnz count
    row = edge_index[0]
    col = edge_index[1]
    n = x.shape[0]
    # Row-sum degree of the adjacency matrix (scatter-add of ones)
    deg = jnp.zeros((n,), dtype=jnp.float32).at[row].add(1.0)
    deg_inv_sqrt = jnp.power(deg, -0.5)
    # Per-edge normalized message: D^{-1/2}[i] * D^{-1/2}[j] * x[j]
    coeff = deg_inv_sqrt[row] * deg_inv_sqrt[col]
    msg = coeff[:, None] * jnp.take(x, col, axis=0)
    # Scatter-add messages to destination rows (sparse matmul)
    agg = jax.ops.segment_sum(msg, row, num_segments=n)
    # reduce='mean': divide each row's sum by the number of nonzeros in that row
    out = agg / deg[:, None]
    return out

if __name__ == "__main__":
    import jax
    _d = setup_inputs()
    print(jax.jit(kernel)(*tuple(_d.values())))

</pallas_src>

<mosaic_0001>
#map = affine_map<(d0, d1) -> (0, 0, 0)>
module attributes {stable_mosaic.version = 14 : i64} {
  func.func @hist(%arg0: i32, %arg1: i32, %arg2: memref<32x80x128xi32, #tpu.memory_space<hbm>>, %arg3: memref<2x10240x128xf32, #tpu.memory_space<hbm>>, %arg4: memref<80x128xi32, #tpu.memory_space<vmem>>, %arg5: memref<128x128xf32, #tpu.memory_space<vmem>>, %arg6: memref<!tpu.dma_semaphore, #tpu.memory_space<semaphore_mem>>, %arg7: memref<10240x128xf32, #tpu.memory_space<vmem_shared>>) attributes {dimension_semantics = [#tpu.dimension_semantics<core_parallel>, #tpu.dimension_semantics<subcore_parallel>], iteration_bounds = array<i64: 2, 16>, scalar_prefetch = 0 : i64, scratch_operands = 4 : i64, tpu.core_type = #tpu.core_type<sc_vector_subcore>, window_params = [{transform_indices = #map}, {transform_indices = #map}]} {
    %mul3A = arith.constant 16 : i32
    %mul3A_0 = arith.muli %arg0, %mul3A : i32
    %add3A = arith.addi %mul3A_0, %arg1 : i32
    %scan3A = arith.constant 0 : i32
    %scan3A_1 = arith.constant 0 : i32
    %scan3A_2 = arith.constant 1024 : i32
    %scan3A_3 = arith.addi %scan3A_1, %scan3A_2 : i32
    %scan3A_4 = arith.constant 1 : i32
    scf.for %scan3A_83 = %scan3A_1 to %scan3A_3 step %scan3A_4  : i32 {
      %broadcast_in_dim3A = arith.constant 0.000000e+00 : f32
      %broadcast_in_dim3A_84 = vector.broadcast %broadcast_in_dim3A : f32 to vector<16xf32>
      %jit3A = arith.constant 8 : i32
      %div3A = arith.divsi %scan3A_83, %jit3A : i32
      %sign3A = arith.constant 0 : i32
      %sign3A_85 = arith.cmpi sgt, %scan3A_83, %sign3A : i32
      %sign3A_86 = arith.extui %sign3A_85 : i1 to i32
      %sign3A_87 = arith.constant 0 : i32
      %sign3A_88 = arith.cmpi slt, %scan3A_83, %sign3A_87 : i32
      %sign3A_89 = arith.extui %sign3A_88 : i1 to i32
      %sign3A_90 = arith.subi %sign3A_86, %sign3A_89 : i32
      %sign3A_91 = arith.constant 0 : i32
      %sign3A_92 = arith.cmpi sgt, %jit3A, %sign3A_91 : i32
      %sign3A_93 = arith.extui %sign3A_92 : i1 to i32
      %sign3A_94 = arith.constant 0 : i32
      %sign3A_95 = arith.cmpi slt, %jit3A, %sign3A_94 : i32
      %sign3A_96 = arith.extui %sign3A_95 : i1 to i32
      %sign3A_97 = arith.subi %sign3A_93, %sign3A_96 : i32
      %ne3A = arith.cmpi ne, %sign3A_90, %sign3A_97 : i32
      %rem3A = arith.remsi %scan3A_83, %jit3A : i32
      %ne3A_98 = arith.constant 0 : i32
      %ne3A_99 = arith.cmpi ne, %rem3A, %ne3A_98 : i32
      %and3A = arith.andi %ne3A, %ne3A_99 : i1
      %sub3A = arith.constant 1 : i32
      %sub3A_100 = arith.subi %div3A, %sub3A : i32
      %select_n3A = arith.select %and3A, %sub3A_100, %div3A : i32
      %jit3A_101 = arith.constant 8 : i32
      %eq3A = arith.constant 0 : i32
      %eq3A_102 = arith.cmpi eq, %jit3A_101, %eq3A : i32
      %jit3A_103 = arith.constant 1 : i32
      %select_n3A_104 = arith.select %eq3A_102, %jit3A_103, %jit3A_101 : i32
      %rem3A_105 = arith.remsi %scan3A_83, %select_n3A_104 : i32
      %ne3A_106 = arith.constant 0 : i32
      %ne3A_107 = arith.cmpi ne, %rem3A_105, %ne3A_106 : i32
      %lt3A = arith.constant 0 : i32
      %lt3A_108 = arith.cmpi slt, %rem3A_105, %lt3A : i32
      %lt3A_109 = arith.constant 0 : i32
      %lt3A_110 = arith.cmpi slt, %select_n3A_104, %lt3A_109 : i32
      %ne3A_111 = arith.xori %lt3A_108, %lt3A_110 : i1
      %and3A_112 = arith.andi %ne3A_111, %ne3A_107 : i1
      %add3A_113 = arith.addi %rem3A_105, %select_n3A_104 : i32
      %select_n3A_114 = arith.select %and3A_112, %add3A_113, %rem3A_105 : i32
      %mul3A_115 = arith.constant 16 : i32
      %mul3A_116 = arith.muli %select_n3A_114, %mul3A_115 : i32
      %swap3A = arith.index_cast %select_n3A : i32 to index
      %swap3A_117 = arith.index_cast %mul3A_116 : i32 to index
      %swap3A_118 = tpu.vector_load %arg5[%swap3A, %swap3A_117] {strides = array<i32>} : memref<128x128xf32, #tpu.memory_space<vmem>>, vector<1x16xf32>,
      %swap3A_119 = vector.shape_cast %swap3A_118 : vector<1x16xf32> to vector<16xf32>
      %swap3A_120 = vector.shape_cast %broadcast_in_dim3A_84 : vector<16xf32> to vector<1x16xf32>
      tpu.vector_store %arg5[%swap3A, %swap3A_117], %swap3A_120 {strides = array<i32>} : memref<128x128xf32, #tpu.memory_space<vmem>>, vector<1x16xf32>,
    }
    %scan3A_5 = arith.constant 1024 : i32
    %scan3A_6 = arith.constant 0 : i32
    %scan3A_7 = arith.constant 0 : i32
    %scan3A_8 = arith.constant 5 : i32
    %scan3A_9 = arith.addi %scan3A_7, %scan3A_8 : i32
    %scan3A_10 = arith.constant 1 : i32
    scf.for %scan3A_83 = %scan3A_7 to %scan3A_9 step %scan3A_10  : i32 {
      %mul3A_84 = arith.constant 640 : i32
      %mul3A_85 = arith.muli %arg1, %mul3A_84 : i32
      %mul3A_86 = arith.constant 128 : i32
      %mul3A_87 = arith.muli %scan3A_83, %mul3A_86 : i32
      %add3A_88 = arith.addi %mul3A_85, %mul3A_87 : i32
      "tpu.region"() ({
        %run_scoped3A = tpu.sem_alloc : memref<!tpu.dma_semaphore, #tpu.memory_space<semaphore_mem>>
        %dma_start3A_89 = arith.constant 0 : i32
        %dma_start3A_90 = tpu.memref_slice %arg7[%add3A_88, %dma_start3A_89] : memref<10240x128xf32, #tpu.memory_space<vmem_shared>> -> memref<128x128xf32, #tpu.memory_space<vmem_shared>>
        %dma_start3A_91 = arith.constant 0 : i32
        %dma_start3A_92 = tpu.memref_slice %arg7[%add3A_88, %dma_start3A_91] : memref<10240x128xf32, #tpu.memory_space<vmem_shared>> -> memref<128x128xf32, #tpu.memory_space<vmem_shared>>
        tpu.enqueue_dma source(%arg5 : memref<128x128xf32, #tpu.memory_space<vmem>>) target(%dma_start3A_92 : memref<128x128xf32, #tpu.memory_space<vmem_shared>>) target_semaphore(%run_scoped3A : memref<!tpu.dma_semaphore, #tpu.memory_space<semaphore_mem>>)
        %dma_wait3A_93 = arith.constant 0 : i32
        %dma_wait3A_94 = tpu.memref_slice %arg7[%add3A_88, %dma_wait3A_93] : memref<10240x128xf32, #tpu.memory_space<vmem_shared>> -> memref<128x128xf32, #tpu.memory_space<vmem_shared>>
        %dma_wait3A_95 = arith.constant 0 : i32
        %dma_wait3A_96 = tpu.memref_slice %arg7[%add3A_88, %dma_wait3A_95] : memref<10240x128xf32, #tpu.memory_space<vmem_shared>> -> memref<128x128xf32, #tpu.memory_space<vmem_shared>>
        tpu.wait_dma2 semaphore(%run_scoped3A : memref<!tpu.dma_semaphore, #tpu.memory_space<semaphore_mem>>) src(%arg5 : memref<128x128xf32, #tpu.memory_space<vmem>>) dst(%dma_wait3A_96 : memref<128x128xf32, #tpu.memory_space<vmem_shared>>)
        tpu.yield
      }) : () -> ()
    }
    %scan3A_11 = arith.constant 5 : i32
    %scan3A_12 = arith.constant 0 : i32
    %scan3A_13 = arith.constant 0 : i32
    %scan3A_14 = arith.constant 1024 : i32
    %scan3A_15 = arith.addi %scan3A_13, %scan3A_14 : i32
    %scan3A_16 = arith.constant 1 : i32
    scf.for %scan3A_83 = %scan3A_13 to %scan3A_15 step %scan3A_16  : i32 {
      %broadcast_in_dim3A = arith.constant 1.000000e+00 : f32
      %broadcast_in_dim3A_84 = vector.broadcast %broadcast_in_dim3A : f32 to vector<16xf32>
      %jit3A = arith.constant 8 : i32
      %div3A = arith.divsi %scan3A_83, %jit3A : i32
      %sign3A = arith.constant 0 : i32
      %sign3A_85 = arith.cmpi sgt, %scan3A_83, %sign3A : i32
      %sign3A_86 = arith.extui %sign3A_85 : i1 to i32
      %sign3A_87 = arith.constant 0 : i32
      %sign3A_88 = arith.cmpi slt, %scan3A_83, %sign3A_87 : i32
      %sign3A_89 = arith.extui %sign3A_88 : i1 to i32
      %sign3A_90 = arith.subi %sign3A_86, %sign3A_89 : i32
      %sign3A_91 = arith.constant 0 : i32
      %sign3A_92 = arith.cmpi sgt, %jit3A, %sign3A_91 : i32
      %sign3A_93 = arith.extui %sign3A_92 : i1 to i32
      %sign3A_94 = arith.constant 0 : i32
      %sign3A_95 = arith.cmpi slt, %jit3A, %sign3A_94 : i32
      %sign3A_96 = arith.extui %sign3A_95 : i1 to i32
      %sign3A_97 = arith.subi %sign3A_93, %sign3A_96 : i32
      %ne3A = arith.cmpi ne, %sign3A_90, %sign3A_97 : i32
      %rem3A = arith.remsi %scan3A_83, %jit3A : i32
      %ne3A_98 = arith.constant 0 : i32
      %ne3A_99 = arith.cmpi ne, %rem3A, %ne3A_98 : i32
      %and3A = arith.andi %ne3A, %ne3A_99 : i1
      %sub3A = arith.constant 1 : i32
      %sub3A_100 = arith.subi %div3A, %sub3A : i32
      %select_n3A = arith.select %and3A, %sub3A_100, %div3A : i32
      %jit3A_101 = arith.constant 8 : i32
      %eq3A = arith.constant 0 : i32
      %eq3A_102 = arith.cmpi eq, %jit3A_101, %eq3A : i32
      %jit3A_103 = arith.constant 1 : i32
      %select_n3A_104 = arith.select %eq3A_102, %jit3A_103, %jit3A_101 : i32
      %rem3A_105 = arith.remsi %scan3A_83, %select_n3A_104 : i32
      %ne3A_106 = arith.constant 0 : i32
      %ne3A_107 = arith.cmpi ne, %rem3A_105, %ne3A_106 : i32
      %lt3A = arith.constant 0 : i32
      %lt3A_108 = arith.cmpi slt, %rem3A_105, %lt3A : i32
      %lt3A_109 = arith.constant 0 : i32
      %lt3A_110 = arith.cmpi slt, %select_n3A_104, %lt3A_109 : i32
      %ne3A_111 = arith.xori %lt3A_108, %lt3A_110 : i1
      %and3A_112 = arith.andi %ne3A_111, %ne3A_107 : i1
      %add3A_113 = arith.addi %rem3A_105, %select_n3A_104 : i32
      %select_n3A_114 = arith.select %and3A_112, %add3A_113, %rem3A_105 : i32
      %mul3A_115 = arith.constant 16 : i32
      %mul3A_116 = arith.muli %select_n3A_114, %mul3A_115 : i32
      %swap3A = arith.index_cast %select_n3A : i32 to index
      %swap3A_117 = arith.index_cast %mul3A_116 : i32 to index
      %swap3A_118 = tpu.vector_load %arg5[%swap3A, %swap3A_117] {strides = array<i32>} : memref<128x128xf32, #tpu.memory_space<vmem>>, vector<1x16xf32>,
      %swap3A_119 = vector.shape_cast %swap3A_118 : vector<1x16xf32> to vector<16xf32>
      %swap3A_120 = vector.shape_cast %broadcast_in_dim3A_84 : vector<16xf32> to vector<1x16xf32>
      tpu.vector_store %arg5[%swap3A, %swap3A_117], %swap3A_120 {strides = array<i32>} : memref<128x128xf32, #tpu.memory_space<vmem>>, vector<1x16xf32>,
    }
    %scan3A_17 = arith.constant 1024 : i32
    %barrier3A = arith.constant 0 : index
    tpu.barrier barrier_id(%barrier3A)
    "tpu.region"() ({
      %run_scoped3A = tpu.sem_alloc : memref<!tpu.dma_semaphore, #tpu.memory_space<semaphore_mem>>
      %dma_start3A_83 = arith.constant 0 : i32
      %dma_start3A_84 = arith.constant 0 : i32
      %dma_start3A_85 = tpu.memref_slice %arg2[%add3A, %dma_start3A_83, %dma_start3A_84] : memref<32x80x128xi32, #tpu.memory_space<hbm>> -> memref<1x80x128xi32, #tpu.memory_space<hbm>>
      %dma_start3A_86 = tpu.memref_squeeze %dma_start3A_85 : memref<1x80x128xi32, #tpu.memory_space<hbm>> -> memref<80x128xi32, #tpu.memory_space<hbm>>
      %dma_start3A_87 = arith.constant 0 : i32
      %dma_start3A_88 = arith.constant 0 : i32
      %dma_start3A_89 = tpu.memref_slice %arg2[%add3A, %dma_start3A_87, %dma_start3A_88] : memref<32x80x128xi32, #tpu.memory_space<hbm>> -> memref<1x80x128xi32, #tpu.memory_space<hbm>>
      %dma_start3A_90 = tpu.memref_squeeze %dma_start3A_89 : memref<1x80x128xi32, #tpu.memory_space<hbm>> -> memref<80x128xi32, #tpu.memory_space<hbm>>
      tpu.enqueue_dma source(%dma_start3A_90 : memref<80x128xi32, #tpu.memory_space<hbm>>) target(%arg4 : memref<80x128xi32, #tpu.memory_space<vmem>>) target_semaphore(%run_scoped3A : memref<!tpu.dma_semaphore, #tpu.memory_space<semaphore_mem>>)
      %dma_wait3A_91 = arith.constant 0 : i32
      %dma_wait3A_92 = arith.constant 0 : i32
      %dma_wait3A_93 = tpu.memref_slice %arg2[%add3A, %dma_wait3A_91, %dma_wait3A_92] : memref<32x80x128xi32, #tpu.memory_space<hbm>> -> memref<1x80x128xi32, #tpu.memory_space<hbm>>
      %dma_wait3A_94 = tpu.memref_squeeze %dma_wait3A_93 : memref<1x80x128xi32, #tpu.memory_space<hbm>> -> memref<80x128xi32, #tpu.memory_space<hbm>>
      %dma_wait3A_95 = arith.constant 0 : i32
      %dma_wait3A_96 = arith.constant 0 : i32
      %dma_wait3A_97 = tpu.memref_slice %arg2[%add3A, %dma_wait3A_95, %dma_wait3A_96] : memref<32x80x128xi32, #tpu.memory_space<hbm>> -> memref<1x80x128xi32, #tpu.memory_space<hbm>>
      %dma_wait3A_98 = tpu.memref_squeeze %dma_wait3A_97 : memref<1x80x128xi32, #tpu.memory_space<hbm>> -> memref<80x128xi32, #tpu.memory_space<hbm>>
      tpu.wait_dma2 semaphore(%run_scoped3A : memref<!tpu.dma_semaphore, #tpu.memory_space<semaphore_mem>>) src(%dma_wait3A_98 : memref<80x128xi32, #tpu.memory_space<hbm>>) dst(%arg4 : memref<80x128xi32, #tpu.memory_space<vmem>>)
      tpu.yield
    }) : () -> ()
    %dma_start3A = arith.constant 0 : i32
    %dma_start3A_18 = arith.constant 0 : i32
    %dma_start3A_19 = tpu.memref_slice %arg4[%dma_start3A, %dma_start3A_18] : memref<80x128xi32, #tpu.memory_space<vmem>> -> memref<1x128xi32, #tpu.memory_space<vmem>>
    %dma_start3A_20 = tpu.memref_squeeze %dma_start3A_19 : memref<1x128xi32, #tpu.memory_space<vmem>> -> memref<128xi32, #tpu.memory_space<vmem>>
    %dma_start3A_21 = arith.constant 0 : i32
    %dma_start3A_22 = arith.constant 0 : i32
    %dma_start3A_23 = tpu.memref_slice %arg7[%dma_start3A_21, %dma_start3A_22] : memref<10240x128xf32, #tpu.memory_space<vmem_shared>> -> memref<10240x128xf32, #tpu.memory_space<vmem_shared>>
    tpu.enqueue_indirect_dma source(%arg5 : memref<128x128xf32, #tpu.memory_space<vmem>>) target(%dma_start3A_23 : memref<10240x128xf32, #tpu.memory_space<vmem_shared>>) offsets(%dma_start3A_20 : memref<128xi32, #tpu.memory_space<vmem>>) semaphore(%arg6 : memref<!tpu.dma_semaphore, #tpu.memory_space<semaphore_mem>>) {add = true}
    %dma_start3A_24 = arith.constant 1 : i32
    %dma_start3A_25 = arith.constant 0 : i32
    %dma_start3A_26 = tpu.memref_slice %arg4[%dma_start3A_24, %dma_start3A_25] : memref<80x128xi32, #tpu.memory_space<vmem>> -> memref<1x128xi32, #tpu.memory_space<vmem>>
    %dma_start3A_27 = tpu.memref_squeeze %dma_start3A_26 : memref<1x128xi32, #tpu.memory_space<vmem>> -> memref<128xi32, #tpu.memory_space<vmem>>
    %dma_start3A_28 = arith.constant 0 : i32
    %dma_start3A_29 = arith.constant 0 : i32
    %dma_start3A_30 = tpu.memref_slice %arg7[%dma_start3A_28, %dma_start3A_29] : memref<10240x128xf32, #tpu.memory_space<vmem_shared>> -> memref<10240x128xf32, #tpu.memory_space<vmem_shared>>
    tpu.enqueue_indirect_dma source(%arg5 : memref<128x128xf32, #tpu.memory_space<vmem>>) target(%dma_start3A_30 : memref<10240x128xf32, #tpu.memory_space<vmem_shared>>) offsets(%dma_start3A_27 : memref<128xi32, #tpu.memory_space<vmem>>) semaphore(%arg6 : memref<!tpu.dma_semaphore, #tpu.memory_space<semaphore_mem>>) {add = true}
    %dma_start3A_31 = arith.constant 2 : i32
    %dma_start3A_32 = arith.constant 0 : i32
    %dma_start3A_33 = tpu.memref_slice %arg4[%dma_start3A_31, %dma_start3A_32] : memref<80x128xi32, #tpu.memory_space<vmem>> -> memref<1x128xi32, #tpu.memory_space<vmem>>
    %dma_start3A_34 = tpu.memref_squeeze %dma_start3A_33 : memref<1x128xi32, #tpu.memory_space<vmem>> -> memref<128xi32, #tpu.memory_space<vmem>>
    %dma_start3A_35 = arith.constant 0 : i32
    %dma_start3A_36 = arith.constant 0 : i32
    %dma_start3A_37 = tpu.memref_slice %arg7[%dma_start3A_35, %dma_start3A_36] : memref<10240x128xf32, #tpu.memory_space<vmem_shared>> -> memref<10240x128xf32, #tpu.memory_space<vmem_shared>>
    tpu.enqueue_indirect_dma source(%arg5 : memref<128x128xf32, #tpu.memory_space<vmem>>) target(%dma_start3A_37 : memref<10240x128xf32, #tpu.memory_space<vmem_shared>>) offsets(%dma_start3A_34 : memref<128xi32, #tpu.memory_space<vmem>>) semaphore(%arg6 : memref<!tpu.dma_semaphore, #tpu.memory_space<semaphore_mem>>) {add = true}
    %dma_start3A_38 = arith.constant 3 : i32
    %dma_start3A_39 = arith.constant 0 : i32
    %dma_start3A_40 = tpu.memref_slice %arg4[%dma_start3A_38, %dma_start3A_39] : memref<80x128xi32, #tpu.memory_space<vmem>> -> memref<1x128xi32, #tpu.memory_space<vmem>>
    %dma_start3A_41 = tpu.memref_squeeze %dma_start3A_40 : memref<1x128xi32, #tpu.memory_space<vmem>> -> memref<128xi32, #tpu.memory_space<vmem>>
    %dma_start3A_42 = arith.constant 0 : i32
    %dma_start3A_43 = arith.constant 0 : i32
    %dma_start3A_44 = tpu.memref_slice %arg7[%dma_start3A_42, %dma_start3A_43] : memref<10240x128xf32, #tpu.memory_space<vmem_shared>> -> memref<10240x128xf32, #tpu.memory_space<vmem_shared>>
    tpu.enqueue_indirect_dma source(%arg5 : memref<128x128xf32, #tpu.memory_space<vmem>>) target(%dma_start3A_44 : memref<10240x128xf32, #tpu.memory_space<vmem_shared>>) offsets(%dma_start3A_41 : memref<128xi32, #tpu.memory_space<vmem>>) semaphore(%arg6 : memref<!tpu.dma_semaphore, #tpu.memory_space<semaphore_mem>>) {add = true}
    %scan3A_45 = arith.constant 0 : i32
    %scan3A_46 = arith.constant 4 : i32
    %scan3A_47 = arith.constant 76 : i32
    %scan3A_48 = arith.addi %scan3A_46, %scan3A_47 : i32
    %scan3A_49 = arith.constant 1 : i32
    scf.for %scan3A_83 = %scan3A_46 to %scan3A_48 step %scan3A_49  : i32 {
      %dma_wait3A_84 = arith.constant 0 : i32
      %dma_wait3A_85 = arith.constant 0 : i32
      %dma_wait3A_86 = tpu.memref_slice %arg4[%dma_wait3A_84, %dma_wait3A_85] : memref<80x128xi32, #tpu.memory_space<vmem>> -> memref<1x128xi32, #tpu.memory_space<vmem>>
      %dma_wait3A_87 = tpu.memref_squeeze %dma_wait3A_86 : memref<1x128xi32, #tpu.memory_space<vmem>> -> memref<128xi32, #tpu.memory_space<vmem>>
      %dma_wait3A_88 = arith.constant 0 : i32
      %dma_wait3A_89 = arith.constant 0 : i32
      %dma_wait3A_90 = tpu.memref_slice %arg7[%dma_wait3A_88, %dma_wait3A_89] : memref<10240x128xf32, #tpu.memory_space<vmem_shared>> -> memref<10240x128xf32, #tpu.memory_space<vmem_shared>>
      tpu.wait_indirect_dma semaphore(%arg6 : memref<!tpu.dma_semaphore, #tpu.memory_space<semaphore_mem>>) src(%arg5 : memref<128x128xf32, #tpu.memory_space<vmem>>) dst(%dma_wait3A_90 : memref<10240x128xf32, #tpu.memory_space<vmem_shared>>)
      %dma_start3A_91 = arith.constant 0 : i32
      %dma_start3A_92 = tpu.memref_slice %arg4[%scan3A_83, %dma_start3A_91] : memref<80x128xi32, #tpu.memory_space<vmem>> -> memref<1x128xi32, #tpu.memory_space<vmem>>
      %dma_start3A_93 = tpu.memref_squeeze %dma_start3A_92 : memref<1x128xi32, #tpu.memory_space<vmem>> -> memref<128xi32, #tpu.memory_space<vmem>>
      %dma_start3A_94 = arith.constant 0 : i32
      %dma_start3A_95 = arith.constant 0 : i32
      %dma_start3A_96 = tpu.memref_slice %arg7[%dma_start3A_94, %dma_start3A_95] : memref<10240x128xf32, #tpu.memory_space<vmem_shared>> -> memref<10240x128xf32, #tpu.memory_space<vmem_shared>>
      tpu.enqueue_indirect_dma source(%arg5 : memref<128x128xf32, #tpu.memory_space<vmem>>) target(%dma_start3A_96 : memref<10240x128xf32, #tpu.memory_space<vmem_shared>>) offsets(%dma_start3A_93 : memref<128xi32, #tpu.memory_space<vmem>>) semaphore(%arg6 : memref<!tpu.dma_semaphore, #tpu.memory_space<semaphore_mem>>) {add = true}
    }
    %scan3A_50 = arith.constant 76 : i32
    %dma_wait3A = arith.constant 0 : i32
    %dma_wait3A_51 = arith.constant 0 : i32
    %dma_wait3A_52 = tpu.memref_slice %arg4[%dma_wait3A, %dma_wait3A_51] : memref<80x128xi32, #tpu.memory_space<vmem>> -> memref<1x128xi32, #tpu.memory_space<vmem>>
    %dma_wait3A_53 = tpu.memref_squeeze %dma_wait3A_52 : memref<1x128xi32, #tpu.memory_space<vmem>> -> memref<128xi32, #tpu.memory_space<vmem>>
    %dma_wait3A_54 = arith.constant 0 : i32
    %dma_wait3A_55 = arith.constant 0 : i32
    %dma_wait3A_56 = tpu.memref_slice %arg7[%dma_wait3A_54, %dma_wait3A_55] : memref<10240x128xf32, #tpu.memory_space<vmem_shared>> -> memref<10240x128xf32, #tpu.memory_space<vmem_shared>>
    tpu.wait_indirect_dma semaphore(%arg6 : memref<!tpu.dma_semaphore, #tpu.memory_space<semaphore_mem>>) src(%arg5 : memref<128x128xf32, #tpu.memory_space<vmem>>) dst(%dma_wait3A_56 : memref<10240x128xf32, #tpu.memory_space<vmem_shared>>)
    %dma_wait3A_57 = arith.constant 0 : i32
    %dma_wait3A_58 = arith.constant 0 : i32
    %dma_wait3A_59 = tpu.memref_slice %arg4[%dma_wait3A_57, %dma_wait3A_58] : memref<80x128xi32, #tpu.memory_space<vmem>> -> memref<1x128xi32, #tpu.memory_space<vmem>>
    %dma_wait3A_60 = tpu.memref_squeeze %dma_wait3A_59 : memref<1x128xi32, #tpu.memory_space<vmem>> -> memref<128xi32, #tpu.memory_space<vmem>>
    %dma_wait3A_61 = arith.constant 0 : i32
    %dma_wait3A_62 = arith.constant 0 : i32
    %dma_wait3A_63 = tpu.memref_slice %arg7[%dma_wait3A_61, %dma_wait3A_62] : memref<10240x128xf32, #tpu.memory_space<vmem_shared>> -> memref<10240x128xf32, #tpu.memory_space<vmem_shared>>
    tpu.wait_indirect_dma semaphore(%arg6 : memref<!tpu.dma_semaphore, #tpu.memory_space<semaphore_mem>>) src(%arg5 : memref<128x128xf32, #tpu.memory_space<vmem>>) dst(%dma_wait3A_63 : memref<10240x128xf32, #tpu.memory_space<vmem_shared>>)
    %dma_wait3A_64 = arith.constant 0 : i32
    %dma_wait3A_65 = arith.constant 0 : i32
    %dma_wait3A_66 = tpu.memref_slice %arg4[%dma_wait3A_64, %dma_wait3A_65] : memref<80x128xi32, #tpu.memory_space<vmem>> -> memref<1x128xi32, #tpu.memory_space<vmem>>
    %dma_wait3A_67 = tpu.memref_squeeze %dma_wait3A_66 : memref<1x128xi32, #tpu.memory_space<vmem>> -> memref<128xi32, #tpu.memory_space<vmem>>
    %dma_wait3A_68 = arith.constant 0 : i32
    %dma_wait3A_69 = arith.constant 0 : i32
    %dma_wait3A_70 = tpu.memref_slice %arg7[%dma_wait3A_68, %dma_wait3A_69] : memref<10240x128xf32, #tpu.memory_space<vmem_shared>> -> memref<10240x128xf32, #tpu.memory_space<vmem_shared>>
    tpu.wait_indirect_dma semaphore(%arg6 : memref<!tpu.dma_semaphore, #tpu.memory_space<semaphore_mem>>) src(%arg5 : memref<128x128xf32, #tpu.memory_space<vmem>>) dst(%dma_wait3A_70 : memref<10240x128xf32, #tpu.memory_space<vmem_shared>>)
    %dma_wait3A_71 = arith.constant 0 : i32
    %dma_wait3A_72 = arith.constant 0 : i32
    %dma_wait3A_73 = tpu.memref_slice %arg4[%dma_wait3A_71, %dma_wait3A_72] : memref<80x128xi32, #tpu.memory_space<vmem>> -> memref<1x128xi32, #tpu.memory_space<vmem>>
    %dma_wait3A_74 = tpu.memref_squeeze %dma_wait3A_73 : memref<1x128xi32, #tpu.memory_space<vmem>> -> memref<128xi32, #tpu.memory_space<vmem>>
    %dma_wait3A_75 = arith.constant 0 : i32
    %dma_wait3A_76 = arith.constant 0 : i32
    %dma_wait3A_77 = tpu.memref_slice %arg7[%dma_wait3A_75, %dma_wait3A_76] : memref<10240x128xf32, #tpu.memory_space<vmem_shared>> -> memref<10240x128xf32, #tpu.memory_space<vmem_shared>>
    tpu.wait_indirect_dma semaphore(%arg6 : memref<!tpu.dma_semaphore, #tpu.memory_space<semaphore_mem>>) src(%arg5 : memref<128x128xf32, #tpu.memory_space<vmem>>) dst(%dma_wait3A_77 : memref<10240x128xf32, #tpu.memory_space<vmem_shared>>)
    %barrier3A_78 = arith.constant 0 : index
    tpu.barrier barrier_id(%barrier3A_78)
    %mul3A_79 = arith.constant 640 : i32
    %mul3A_80 = arith.muli %arg1, %mul3A_79 : i32
    %mul3A_81 = arith.constant 640 : i32
    %mul3A_82 = arith.muli %arg1, %mul3A_81 : i32
    "tpu.region"() ({
      %run_scoped3A = tpu.sem_alloc : memref<!tpu.dma_semaphore, #tpu.memory_space<semaphore_mem>>
      %dma_start3A_83 = arith.constant 0 : i32
      %dma_start3A_84 = tpu.memref_slice %arg3[%arg0, %mul3A_82, %dma_start3A_83] : memref<2x10240x128xf32, #tpu.memory_space<hbm>> -> memref<1x640x128xf32, #tpu.memory_space<hbm>>
      %dma_start3A_85 = tpu.memref_squeeze %dma_start3A_84 : memref<1x640x128xf32, #tpu.memory_space<hbm>> -> memref<640x128xf32, #tpu.memory_space<hbm>>
      %dma_start3A_86 = arith.constant 0 : i32
      %dma_start3A_87 = tpu.memref_slice %arg7[%mul3A_80, %dma_start3A_86] : memref<10240x128xf32, #tpu.memory_space<vmem_shared>> -> memref<640x128xf32, #tpu.memory_space<vmem_shared>>
      tpu.enqueue_dma source(%dma_start3A_87 : memref<640x128xf32, #tpu.memory_space<vmem_shared>>) target(%dma_start3A_85 : memref<640x128xf32, #tpu.memory_space<hbm>>) target_semaphore(%run_scoped3A : memref<!tpu.dma_semaphore, #tpu.memory_space<semaphore_mem>>)
      %dma_wait3A_88 = arith.constant 0 : i32
      %dma_wait3A_89 = tpu.memref_slice %arg3[%arg0, %mul3A_82, %dma_wait3A_88] : memref<2x10240x128xf32, #tpu.memory_space<hbm>> -> memref<1x640x128xf32, #tpu.memory_space<hbm>>
      %dma_wait3A_90 = tpu.memref_squeeze %dma_wait3A_89 : memref<1x640x128xf32, #tpu.memory_space<hbm>> -> memref<640x128xf32, #tpu.memory_space<hbm>>
      %dma_wait3A_91 = arith.constant 0 : i32
      %dma_wait3A_92 = tpu.memref_slice %arg7[%mul3A_80, %dma_wait3A_91] : memref<10240x128xf32, #tpu.memory_space<vmem_shared>> -> memref<640x128xf32, #tpu.memory_space<vmem_shared>>
      tpu.wait_dma2 semaphore(%run_scoped3A : memref<!tpu.dma_semaphore, #tpu.memory_space<semaphore_mem>>) src(%dma_wait3A_92 : memref<640x128xf32, #tpu.memory_space<vmem_shared>>) dst(%dma_wait3A_90 : memref<640x128xf32, #tpu.memory_space<hbm>>)
      tpu.yield
    }) : () -> ()
    return
  }
}

#map = affine_map<(d0, d1) -> (0, 0)>
#map1 = affine_map<(d0, d1) -> (0, 0, 0)>
module attributes {stable_mosaic.version = 14 : i64} {
  func.func @agg(%arg0: i32, %arg1: i32, %arg2: memref<10240x128xf32, #tpu.memory_space<hbm>>, %arg3: memref<32x80x128xi32, #tpu.memory_space<hbm>>, %arg4: memref<32x80x128xi32, #tpu.memory_space<hbm>>, %arg5: memref<2x10240x128xf32, #tpu.memory_space<hbm>>, %arg6: memref<80x128xi32, #tpu.memory_space<vmem>>, %arg7: memref<2x128xi32, #tpu.memory_space<vmem>>, %arg8: memref<128x128xf32, #tpu.memory_space<vmem>>, %arg9: memref<128x128xf32, #tpu.memory_space<vmem>>, %arg10: memref<!tpu.dma_semaphore, #tpu.memory_space<semaphore_mem>>, %arg11: memref<!tpu.dma_semaphore, #tpu.memory_space<semaphore_mem>>, %arg12: memref<!tpu.dma_semaphore, #tpu.memory_space<semaphore_mem>>, %arg13: memref<!tpu.dma_semaphore, #tpu.memory_space<semaphore_mem>>, %arg14: memref<10240x128xf32, #tpu.memory_space<vmem_shared>>) attributes {dimension_semantics = [#tpu.dimension_semantics<core_parallel>, #tpu.dimension_semantics<subcore_parallel>], iteration_bounds = array<i64: 2, 16>, scalar_prefetch = 0 : i64, scratch_operands = 9 : i64, tpu.core_type = #tpu.core_type<sc_vector_subcore>, window_params = [{transform_indices = #map}, {transform_indices = #map1}, {transform_indices = #map1}, {transform_indices = #map1}]} {
    %mul3A = arith.constant 16 : i32
    %mul3A_0 = arith.muli %arg0, %mul3A : i32
    %add3A = arith.addi %mul3A_0, %arg1 : i32
    %scan3A = arith.constant 0 : i32
    %scan3A_1 = arith.constant 0 : i32
    %scan3A_2 = arith.constant 1024 : i32
    %scan3A_3 = arith.addi %scan3A_1, %scan3A_2 : i32
    %scan3A_4 = arith.constant 1 : i32
    scf.for %scan3A_43 = %scan3A_1 to %scan3A_3 step %scan3A_4  : i32 {
      %broadcast_in_dim3A = arith.constant 0.000000e+00 : f32
      %broadcast_in_dim3A_44 = vector.broadcast %broadcast_in_dim3A : f32 to vector<16xf32>
      %jit3A = arith.constant 8 : i32
      %div3A = arith.divsi %scan3A_43, %jit3A : i32
      %sign3A = arith.constant 0 : i32
      %sign3A_45 = arith.cmpi sgt, %scan3A_43, %sign3A : i32
      %sign3A_46 = arith.extui %sign3A_45 : i1 to i32
      %sign3A_47 = arith.constant 0 : i32
      %sign3A_48 = arith.cmpi slt, %scan3A_43, %sign3A_47 : i32
      %sign3A_49 = arith.extui %sign3A_48 : i1 to i32
      %sign3A_50 = arith.subi %sign3A_46, %sign3A_49 : i32
      %sign3A_51 = arith.constant 0 : i32
      %sign3A_52 = arith.cmpi sgt, %jit3A, %sign3A_51 : i32
      %sign3A_53 = arith.extui %sign3A_52 : i1 to i32
      %sign3A_54 = arith.constant 0 : i32
      %sign3A_55 = arith.cmpi slt, %jit3A, %sign3A_54 : i32
      %sign3A_56 = arith.extui %sign3A_55 : i1 to i32
      %sign3A_57 = arith.subi %sign3A_53, %sign3A_56 : i32
      %ne3A = arith.cmpi ne, %sign3A_50, %sign3A_57 : i32
      %rem3A = arith.remsi %scan3A_43, %jit3A : i32
      %ne3A_58 = arith.constant 0 : i32
      %ne3A_59 = arith.cmpi ne, %rem3A, %ne3A_58 : i32
      %and3A = arith.andi %ne3A, %ne3A_59 : i1
      %sub3A = arith.constant 1 : i32
      %sub3A_60 = arith.subi %div3A, %sub3A : i32
      %select_n3A = arith.select %and3A, %sub3A_60, %div3A : i32
      %jit3A_61 = arith.constant 8 : i32
      %eq3A = arith.constant 0 : i32
      %eq3A_62 = arith.cmpi eq, %jit3A_61, %eq3A : i32
      %jit3A_63 = arith.constant 1 : i32
      %select_n3A_64 = arith.select %eq3A_62, %jit3A_63, %jit3A_61 : i32
      %rem3A_65 = arith.remsi %scan3A_43, %select_n3A_64 : i32
      %ne3A_66 = arith.constant 0 : i32
      %ne3A_67 = arith.cmpi ne, %rem3A_65, %ne3A_66 : i32
      %lt3A = arith.constant 0 : i32
      %lt3A_68 = arith.cmpi slt, %rem3A_65, %lt3A : i32
      %lt3A_69 = arith.constant 0 : i32
      %lt3A_70 = arith.cmpi slt, %select_n3A_64, %lt3A_69 : i32
      %ne3A_71 = arith.xori %lt3A_68, %lt3A_70 : i1
      %and3A_72 = arith.andi %ne3A_71, %ne3A_67 : i1
      %add3A_73 = arith.addi %rem3A_65, %select_n3A_64 : i32
      %select_n3A_74 = arith.select %and3A_72, %add3A_73, %rem3A_65 : i32
      %mul3A_75 = arith.constant 16 : i32
      %mul3A_76 = arith.muli %select_n3A_74, %mul3A_75 : i32
      %swap3A = arith.index_cast %select_n3A : i32 to index
      %swap3A_77 = arith.index_cast %mul3A_76 : i32 to index
      %swap3A_78 = tpu.vector_load %arg8[%swap3A, %swap3A_77] {strides = array<i32>} : memref<128x128xf32, #tpu.memory_space<vmem>>, vector<1x16xf32>,
      %swap3A_79 = vector.shape_cast %swap3A_78 : vector<1x16xf32> to vector<16xf32>
      %swap3A_80 = vector.shape_cast %broadcast_in_dim3A_44 : vector<16xf32> to vector<1x16xf32>
      tpu.vector_store %arg8[%swap3A, %swap3A_77], %swap3A_80 {strides = array<i32>} : memref<128x128xf32, #tpu.memory_space<vmem>>, vector<1x16xf32>,
    }
    %scan3A_5 = arith.constant 1024 : i32
    %scan3A_6 = arith.constant 0 : i32
    %scan3A_7 = arith.constant 0 : i32
    %scan3A_8 = arith.constant 5 : i32
    %scan3A_9 = arith.addi %scan3A_7, %scan3A_8 : i32
    %scan3A_10 = arith.constant 1 : i32
    scf.for %scan3A_43 = %scan3A_7 to %scan3A_9 step %scan3A_10  : i32 {
      %mul3A_44 = arith.constant 640 : i32
      %mul3A_45 = arith.muli %arg1, %mul3A_44 : i32
      %mul3A_46 = arith.constant 128 : i32
      %mul3A_47 = arith.muli %scan3A_43, %mul3A_46 : i32
      %add3A_48 = arith.addi %mul3A_45, %mul3A_47 : i32
      "tpu.region"() ({
        %run_scoped3A = tpu.sem_alloc : memref<!tpu.dma_semaphore, #tpu.memory_space<semaphore_mem>>
        %dma_start3A_49 = arith.constant 0 : i32
        %dma_start3A_50 = tpu.memref_slice %arg14[%add3A_48, %dma_start3A_49] : memref<10240x128xf32, #tpu.memory_space<vmem_shared>> -> memref<128x128xf32, #tpu.memory_space<vmem_shared>>
        %dma_start3A_51 = arith.constant 0 : i32
        %dma_start3A_52 = tpu.memref_slice %arg14[%add3A_48, %dma_start3A_51] : memref<10240x128xf32, #tpu.memory_space<vmem_shared>> -> memref<128x128xf32, #tpu.memory_space<vmem_shared>>
        tpu.enqueue_dma source(%arg8 : memref<128x128xf32, #tpu.memory_space<vmem>>) target(%dma_start3A_52 : memref<128x128xf32, #tpu.memory_space<vmem_shared>>) target_semaphore(%run_scoped3A : memref<!tpu.dma_semaphore, #tpu.memory_space<semaphore_mem>>)
        %dma_wait3A = arith.constant 0 : i32
        %dma_wait3A_53 = tpu.memref_slice %arg14[%add3A_48, %dma_wait3A] : memref<10240x128xf32, #tpu.memory_space<vmem_shared>> -> memref<128x128xf32, #tpu.memory_space<vmem_shared>>
        %dma_wait3A_54 = arith.constant 0 : i32
        %dma_wait3A_55 = tpu.memref_slice %arg14[%add3A_48, %dma_wait3A_54] : memref<10240x128xf32, #tpu.memory_space<vmem_shared>> -> memref<128x128xf32, #tpu.memory_space<vmem_shared>>
        tpu.wait_dma2 semaphore(%run_scoped3A : memref<!tpu.dma_semaphore, #tpu.memory_space<semaphore_mem>>) src(%arg8 : memref<128x128xf32, #tpu.memory_space<vmem>>) dst(%dma_wait3A_55 : memref<128x128xf32, #tpu.memory_space<vmem_shared>>)
        tpu.yield
      }) : () -> ()
    }
    %scan3A_11 = arith.constant 5 : i32
    %barrier3A = arith.constant 0 : index
    tpu.barrier barrier_id(%barrier3A)
    "tpu.region"() ({
      %run_scoped3A = tpu.sem_alloc : memref<!tpu.dma_semaphore, #tpu.memory_space<semaphore_mem>>
      %dma_start3A_43 = arith.constant 0 : i32
      %dma_start3A_44 = arith.constant 0 : i32
      %dma_start3A_45 = tpu.memref_slice %arg3[%add3A, %dma_start3A_43, %dma_start3A_44] : memref<32x80x128xi32, #tpu.memory_space<hbm>> -> memref<1x80x128xi32, #tpu.memory_space<hbm>>
      %dma_start3A_46 = tpu.memref_squeeze %dma_start3A_45 : memref<1x80x128xi32, #tpu.memory_space<hbm>> -> memref<80x128xi32, #tpu.memory_space<hbm>>
      %dma_start3A_47 = arith.constant 0 : i32
      %dma_start3A_48 = arith.constant 0 : i32
      %dma_start3A_49 = tpu.memref_slice %arg3[%add3A, %dma_start3A_47, %dma_start3A_48] : memref<32x80x128xi32, #tpu.memory_space<hbm>> -> memref<1x80x128xi32, #tpu.memory_space<hbm>>
      %dma_start3A_50 = tpu.memref_squeeze %dma_start3A_49 : memref<1x80x128xi32, #tpu.memory_space<hbm>> -> memref<80x128xi32, #tpu.memory_space<hbm>>
      tpu.enqueue_dma source(%dma_start3A_50 : memref<80x128xi32, #tpu.memory_space<hbm>>) target(%arg6 : memref<80x128xi32, #tpu.memory_space<vmem>>) target_semaphore(%run_scoped3A : memref<!tpu.dma_semaphore, #tpu.memory_space<semaphore_mem>>)
      %dma_wait3A = arith.constant 0 : i32
      %dma_wait3A_51 = arith.constant 0 : i32
      %dma_wait3A_52 = tpu.memref_slice %arg3[%add3A, %dma_wait3A, %dma_wait3A_51] : memref<32x80x128xi32, #tpu.memory_space<hbm>> -> memref<1x80x128xi32, #tpu.memory_space<hbm>>
      %dma_wait3A_53 = tpu.memref_squeeze %dma_wait3A_52 : memref<1x80x128xi32, #tpu.memory_space<hbm>> -> memref<80x128xi32, #tpu.memory_space<hbm>>
      %dma_wait3A_54 = arith.constant 0 : i32
      %dma_wait3A_55 = arith.constant 0 : i32
      %dma_wait3A_56 = tpu.memref_slice %arg3[%add3A, %dma_wait3A_54, %dma_wait3A_55] : memref<32x80x128xi32, #tpu.memory_space<hbm>> -> memref<1x80x128xi32, #tpu.memory_space<hbm>>
      %dma_wait3A_57 = tpu.memref_squeeze %dma_wait3A_56 : memref<1x80x128xi32, #tpu.memory_space<hbm>> -> memref<80x128xi32, #tpu.memory_space<hbm>>
      tpu.wait_dma2 semaphore(%run_scoped3A : memref<!tpu.dma_semaphore, #tpu.memory_space<semaphore_mem>>) src(%dma_wait3A_57 : memref<80x128xi32, #tpu.memory_space<hbm>>) dst(%arg6 : memref<80x128xi32, #tpu.memory_space<vmem>>)
      tpu.yield
    }) : () -> ()
    %dma_start3A = arith.constant 0 : i32
    %dma_start3A_12 = arith.constant 0 : i32
    %dma_start3A_13 = tpu.memref_slice %arg6[%dma_start3A, %dma_start3A_12] : memref<80x128xi32, #tpu.memory_space<vmem>> -> memref<1x128xi32, #tpu.memory_space<vmem>>
    %dma_start3A_14 = tpu.memref_squeeze %dma_start3A_13 : memref<1x128xi32, #tpu.memory_space<vmem>> -> memref<128xi32, #tpu.memory_space<vmem>>
    %dma_start3A_15 = arith.constant 0 : i32
    %dma_start3A_16 = arith.constant 0 : i32
    %dma_start3A_17 = tpu.memref_slice %arg2[%dma_start3A_15, %dma_start3A_16] : memref<10240x128xf32, #tpu.memory_space<hbm>> -> memref<10240x128xf32, #tpu.memory_space<hbm>>
    tpu.enqueue_indirect_dma source(%dma_start3A_17 : memref<10240x128xf32, #tpu.memory_space<hbm>>) target(%arg8 : memref<128x128xf32, #tpu.memory_space<vmem>>) offsets(%dma_start3A_14 : memref<128xi32, #tpu.memory_space<vmem>>) semaphore(%arg10 : memref<!tpu.dma_semaphore, #tpu.memory_space<semaphore_mem>>)
    %dma_start3A_18 = arith.constant 0 : i32
    %dma_start3A_19 = arith.constant 0 : i32
    %dma_start3A_20 = arith.constant 0 : i32
    %dma_start3A_21 = tpu.memref_slice %arg7[%dma_start3A_19, %dma_start3A_20] : memref<2x128xi32, #tpu.memory_space<vmem>> -> memref<1x128xi32, #tpu.memory_space<vmem>>
    %dma_start3A_22 = tpu.memref_squeeze %dma_start3A_21 : memref<1x128xi32, #tpu.memory_space<vmem>> -> memref<128xi32, #tpu.memory_space<vmem>>
    %dma_start3A_23 = arith.constant 0 : i32
    %dma_start3A_24 = tpu.memref_slice %arg4[%add3A, %dma_start3A_18, %dma_start3A_23] : memref<32x80x128xi32, #tpu.memory_space<hbm>> -> memref<1x1x128xi32, #tpu.memory_space<hbm>>
    %dma_start3A_25 = tpu.memref_squeeze %dma_start3A_24 : memref<1x1x128xi32, #tpu.memory_space<hbm>> -> memref<128xi32, #tpu.memory_space<hbm>>
    %dma_start3A_26 = arith.constant 0 : i32
    %dma_start3A_27 = tpu.memref_slice %arg7[%dma_start3A_19, %dma_start3A_26] : memref<2x128xi32, #tpu.memory_space<vmem>> -> memref<1x128xi32, #tpu.memory_space<vmem>>
    %dma_start3A_28 = tpu.memref_squeeze %dma_start3A_27 : memref<1x128xi32, #tpu.memory_space<vmem>> -> memref<128xi32, #tpu.memory_space<vmem>>
    %dma_start3A_29 = arith.constant 0 : i32
    %dma_start3A_30 = tpu.memref_slice %arg4[%add3A, %dma_start3A_18, %dma_start3A_29] : memref<32x80x128xi32, #tpu.memory_space<hbm>> -> memref<1x1x128xi32, #tpu.memory_space<hbm>>
    %dma_start3A_31 = tpu.memref_squeeze %dma_start3A_30 : memref<1x1x128xi32, #tpu.memory_space<hbm>> -> memref<128xi32, #tpu.memory_space<hbm>>
    tpu.enqueue_dma source(%dma_start3A_31 : memref<128xi32, #tpu.memory_space<hbm>>) target(%dma_start3A_28 : memref<128xi32, #tpu.memory_space<vmem>>) target_semaphore(%arg12 : memref<!tpu.dma_semaphore, #tpu.memory_space<semaphore_mem>>)
    %scan3A_32 = arith.constant 0 : i32
    %scan3A_33 = arith.constant 0 : i32
    %scan3A_34 = arith.constant 40 : i32
    %scan3A_35 = arith.addi %scan3A_33, %scan3A_34 : i32
    %scan3A_36 = arith.constant 1 : i32
    scf.for %scan3A_43 = %scan3A_33 to %scan3A_35 step %scan3A_36  : i32 {
      %mul3A_44 = arith.constant 2 : i32
      %mul3A_45 = arith.muli %mul3A_44, %scan3A_43 : i32
      %add3A_46 = arith.constant 0 : i32
      %add3A_47 = arith.addi %mul3A_45, %add3A_46 : i32
      %add3A_48 = arith.constant 1 : i32
      %add3A_49 = arith.addi %add3A_47, %add3A_48 : i32
      %lt3A = arith.constant 80 : i32
      %lt3A_50 = arith.cmpi slt, %add3A_49, %lt3A : i32
      %convert_element_type3A = arith.extui %lt3A_50 : i1 to i32
      %cond3A = arith.constant 0 : i32
      %cond3A_51 = arith.cmpi ne, %convert_element_type3A, %cond3A : i32
      scf.if %cond3A_51 {
        %add3A_101 = arith.constant 1 : i32
        %add3A_102 = arith.addi %add3A_47, %add3A_101 : i32
        %dma_start3A_103 = arith.constant 0 : i32
        %dma_start3A_104 = tpu.memref_slice %arg6[%add3A_102, %dma_start3A_103] : memref<80x128xi32, #tpu.memory_space<vmem>> -> memref<1x128xi32, #tpu.memory_space<vmem>>
        %dma_start3A_105 = tpu.memref_squeeze %dma_start3A_104 : memref<1x128xi32, #tpu.memory_space<vmem>> -> memref<128xi32, #tpu.memory_space<vmem>>
        %dma_start3A_106 = arith.constant 0 : i32
        %dma_start3A_107 = arith.constant 0 : i32
        %dma_start3A_108 = tpu.memref_slice %arg2[%dma_start3A_106, %dma_start3A_107] : memref<10240x128xf32, #tpu.memory_space<hbm>> -> memref<10240x128xf32, #tpu.memory_space<hbm>>
        tpu.enqueue_indirect_dma source(%dma_start3A_108 : memref<10240x128xf32, #tpu.memory_space<hbm>>) target(%arg9 : memref<128x128xf32, #tpu.memory_space<vmem>>) offsets(%dma_start3A_105 : memref<128xi32, #tpu.memory_space<vmem>>) semaphore(%arg11 : memref<!tpu.dma_semaphore, #tpu.memory_space<semaphore_mem>>)
        %add3A_109 = arith.constant 1 : i32
        %add3A_110 = arith.addi %add3A_47, %add3A_109 : i32
        %dma_start3A_111 = arith.constant 1 : i32
        %dma_start3A_112 = arith.constant 0 : i32
        %dma_start3A_113 = tpu.memref_slice %arg7[%dma_start3A_111, %dma_start3A_112] : memref<2x128xi32, #tpu.memory_space<vmem>> -> memref<1x128xi32, #tpu.memory_space<vmem>>
        %dma_start3A_114 = tpu.memref_squeeze %dma_start3A_113 : memref<1x128xi32, #tpu.memory_space<vmem>> -> memref<128xi32, #tpu.memory_space<vmem>>
        %dma_start3A_115 = arith.constant 0 : i32
        %dma_start3A_116 = tpu.memref_slice %arg4[%add3A, %add3A_110, %dma_start3A_115] : memref<32x80x128xi32, #tpu.memory_space<hbm>> -> memref<1x1x128xi32, #tpu.memory_space<hbm>>
        %dma_start3A_117 = tpu.memref_squeeze %dma_start3A_116 : memref<1x1x128xi32, #tpu.memory_space<hbm>> -> memref<128xi32, #tpu.memory_space<hbm>>
        %dma_start3A_118 = arith.constant 0 : i32
        %dma_start3A_119 = tpu.memref_slice %arg7[%dma_start3A_111, %dma_start3A_118] : memref<2x128xi32, #tpu.memory_space<vmem>> -> memref<1x128xi32, #tpu.memory_space<vmem>>
        %dma_start3A_120 = tpu.memref_squeeze %dma_start3A_119 : memref<1x128xi32, #tpu.memory_space<vmem>> -> memref<128xi32, #tpu.memory_space<vmem>>
        %dma_start3A_121 = arith.constant 0 : i32
        %dma_start3A_122 = tpu.memref_slice %arg4[%add3A, %add3A_110, %dma_start3A_121] : memref<32x80x128xi32, #tpu.memory_space<hbm>> -> memref<1x1x128xi32, #tpu.memory_space<hbm>>
        %dma_start3A_123 = tpu.memref_squeeze %dma_start3A_122 : memref<1x1x128xi32, #tpu.memory_space<hbm>> -> memref<128xi32, #tpu.memory_space<hbm>>
        tpu.enqueue_dma source(%dma_start3A_123 : memref<128xi32, #tpu.memory_space<hbm>>) target(%dma_start3A_120 : memref<128xi32, #tpu.memory_space<vmem>>) target_semaphore(%arg13 : memref<!tpu.dma_semaphore, #tpu.memory_space<semaphore_mem>>)
      } else {
      }
      %dma_wait3A = arith.constant 0 : i32
      %dma_wait3A_52 = tpu.memref_slice %arg6[%add3A_47, %dma_wait3A] : memref<80x128xi32, #tpu.memory_space<vmem>> -> memref<1x128xi32, #tpu.memory_space<vmem>>
      %dma_wait3A_53 = tpu.memref_squeeze %dma_wait3A_52 : memref<1x128xi32, #tpu.memory_space<vmem>> -> memref<128xi32, #tpu.memory_space<vmem>>
      %dma_wait3A_54 = arith.constant 0 : i32
      %dma_wait3A_55 = arith.constant 0 : i32
      %dma_wait3A_56 = tpu.memref_slice %arg2[%dma_wait3A_54, %dma_wait3A_55] : memref<10240x128xf32, #tpu.memory_space<hbm>> -> memref<10240x128xf32, #tpu.memory_space<hbm>>
      tpu.wait_indirect_dma semaphore(%arg10 : memref<!tpu.dma_semaphore, #tpu.memory_space<semaphore_mem>>) src(%dma_wait3A_56 : memref<10240x128xf32, #tpu.memory_space<hbm>>) dst(%arg8 : memref<128x128xf32, #tpu.memory_space<vmem>>)
      %dma_wait3A_57 = arith.constant 0 : i32
      %dma_wait3A_58 = arith.constant 0 : i32
      %dma_wait3A_59 = tpu.memref_slice %arg7[%dma_wait3A_57, %dma_wait3A_58] : memref<2x128xi32, #tpu.memory_space<vmem>> -> memref<1x128xi32, #tpu.memory_space<vmem>>
      %dma_wait3A_60 = tpu.memref_squeeze %dma_wait3A_59 : memref<1x128xi32, #tpu.memory_space<vmem>> -> memref<128xi32, #tpu.memory_space<vmem>>
      %dma_wait3A_61 = arith.constant 0 : i32
      %dma_wait3A_62 = tpu.memref_slice %arg4[%add3A, %add3A_47, %dma_wait3A_61] : memref<32x80x128xi32, #tpu.memory_space<hbm>> -> memref<1x1x128xi32, #tpu.memory_space<hbm>>
      %dma_wait3A_63 = tpu.memref_squeeze %dma_wait3A_62 : memref<1x1x128xi32, #tpu.memory_space<hbm>> -> memref<128xi32, #tpu.memory_space<hbm>>
      %dma_wait3A_64 = arith.constant 0 : i32
      %dma_wait3A_65 = tpu.memref_slice %arg7[%dma_wait3A_57, %dma_wait3A_64] : memref<2x128xi32, #tpu.memory_space<vmem>> -> memref<1x128xi32, #tpu.memory_space<vmem>>
      %dma_wait3A_66 = tpu.memref_squeeze %dma_wait3A_65 : memref<1x128xi32, #tpu.memory_space<vmem>> -> memref<128xi32, #tpu.memory_space<vmem>>
      %dma_wait3A_67 = arith.constant 0 : i32
      %dma_wait3A_68 = tpu.memref_slice %arg4[%add3A, %add3A_47, %dma_wait3A_67] : memref<32x80x128xi32, #tpu.memory_space<hbm>> -> memref<1x1x128xi32, #tpu.memory_space<hbm>>
      %dma_wait3A_69 = tpu.memref_squeeze %dma_wait3A_68 : memref<1x1x128xi32, #tpu.memory_space<hbm>> -> memref<128xi32, #tpu.memory_space<hbm>>
      tpu.wait_dma2 semaphore(%arg12 : memref<!tpu.dma_semaphore, #tpu.memory_space<semaphore_mem>>) src(%dma_wait3A_69 : memref<128xi32, #tpu.memory_space<hbm>>) dst(%dma_wait3A_66 : memref<128xi32, #tpu.memory_space<vmem>>)
      %run_scoped3A = arith.constant 0 : i32
      "tpu.region"() ({
        %run_scoped3A_101 = tpu.sem_alloc : memref<!tpu.dma_semaphore, #tpu.memory_space<semaphore_mem>>
        %dma_start3A_102 = arith.constant 0 : i32
        %dma_start3A_103 = tpu.memref_slice %arg7[%run_scoped3A, %dma_start3A_102] : memref<2x128xi32, #tpu.memory_space<vmem>> -> memref<1x128xi32, #tpu.memory_space<vmem>>
        %dma_start3A_104 = tpu.memref_squeeze %dma_start3A_103 : memref<1x128xi32, #tpu.memory_space<vmem>> -> memref<128xi32, #tpu.memory_space<vmem>>
        %dma_start3A_105 = arith.constant 0 : i32
        %dma_start3A_106 = arith.constant 0 : i32
        %dma_start3A_107 = tpu.memref_slice %arg14[%dma_start3A_105, %dma_start3A_106] : memref<10240x128xf32, #tpu.memory_space<vmem_shared>> -> memref<10240x128xf32, #tpu.memory_space<vmem_shared>>
        tpu.enqueue_indirect_dma source(%arg8 : memref<128x128xf32, #tpu.memory_space<vmem>>) target(%dma_start3A_107 : memref<10240x128xf32, #tpu.memory_space<vmem_shared>>) offsets(%dma_start3A_104 : memref<128xi32, #tpu.memory_space<vmem>>) semaphore(%run_scoped3A_101 : memref<!tpu.dma_semaphore, #tpu.memory_space<semaphore_mem>>) {add = true}
        %dma_wait3A_108 = arith.constant 0 : i32
        %dma_wait3A_109 = tpu.memref_slice %arg7[%run_scoped3A, %dma_wait3A_108] : memref<2x128xi32, #tpu.memory_space<vmem>> -> memref<1x128xi32, #tpu.memory_space<vmem>>
        %dma_wait3A_110 = tpu.memref_squeeze %dma_wait3A_109 : memref<1x128xi32, #tpu.memory_space<vmem>> -> memref<128xi32, #tpu.memory_space<vmem>>
        %dma_wait3A_111 = arith.constant 0 : i32
        %dma_wait3A_112 = arith.constant 0 : i32
        %dma_wait3A_113 = tpu.memref_slice %arg14[%dma_wait3A_111, %dma_wait3A_112] : memref<10240x128xf32, #tpu.memory_space<vmem_shared>> -> memref<10240x128xf32, #tpu.memory_space<vmem_shared>>
        tpu.wait_indirect_dma semaphore(%run_scoped3A_101 : memref<!tpu.dma_semaphore, #tpu.memory_space<semaphore_mem>>) src(%arg8 : memref<128x128xf32, #tpu.memory_space<vmem>>) dst(%dma_wait3A_113 : memref<10240x128xf32, #tpu.memory_space<vmem_shared>>)
        tpu.yield
      }) : () -> ()
      %mul3A_70 = arith.constant 2 : i32
      %mul3A_71 = arith.muli %mul3A_70, %scan3A_43 : i32
      %add3A_72 = arith.constant 1 : i32
      %add3A_73 = arith.addi %mul3A_71, %add3A_72 : i32
      %add3A_74 = arith.constant 1 : i32
      %add3A_75 = arith.addi %add3A_73, %add3A_74 : i32
      %lt3A_76 = arith.constant 80 : i32
      %lt3A_77 = arith.cmpi slt, %add3A_75, %lt3A_76 : i32
      %convert_element_type3A_78 = arith.extui %lt3A_77 : i1 to i32
      %cond3A_79 = arith.constant 0 : i32
      %cond3A_80 = arith.cmpi ne, %convert_element_type3A_78, %cond3A_79 : i32
      scf.if %cond3A_80 {
        %add3A_101 = arith.constant 1 : i32
        %add3A_102 = arith.addi %add3A_73, %add3A_101 : i32
        %dma_start3A_103 = arith.constant 0 : i32
        %dma_start3A_104 = tpu.memref_slice %arg6[%add3A_102, %dma_start3A_103] : memref<80x128xi32, #tpu.memory_space<vmem>> -> memref<1x128xi32, #tpu.memory_space<vmem>>
        %dma_start3A_105 = tpu.memref_squeeze %dma_start3A_104 : memref<1x128xi32, #tpu.memory_space<vmem>> -> memref<128xi32, #tpu.memory_space<vmem>>
        %dma_start3A_106 = arith.constant 0 : i32
        %dma_start3A_107 = arith.constant 0 : i32
        %dma_start3A_108 = tpu.memref_slice %arg2[%dma_start3A_106, %dma_start3A_107] : memref<10240x128xf32, #tpu.memory_space<hbm>> -> memref<10240x128xf32, #tpu.memory_space<hbm>>
        tpu.enqueue_indirect_dma source(%dma_start3A_108 : memref<10240x128xf32, #tpu.memory_space<hbm>>) target(%arg8 : memref<128x128xf32, #tpu.memory_space<vmem>>) offsets(%dma_start3A_105 : memref<128xi32, #tpu.memory_space<vmem>>) semaphore(%arg10 : memref<!tpu.dma_semaphore, #tpu.memory_space<semaphore_mem>>)
        %add3A_109 = arith.constant 1 : i32
        %add3A_110 = arith.addi %add3A_73, %add3A_109 : i32
        %dma_start3A_111 = arith.constant 0 : i32
        %dma_start3A_112 = arith.constant 0 : i32
        %dma_start3A_113 = tpu.memref_slice %arg7[%dma_start3A_111, %dma_start3A_112] : memref<2x128xi32, #tpu.memory_space<vmem>> -> memref<1x128xi32, #tpu.memory_space<vmem>>
        %dma_start3A_114 = tpu.memref_squeeze %dma_start3A_113 : memref<1x128xi32, #tpu.memory_space<vmem>> -> memref<128xi32, #tpu.memory_space<vmem>>
        %dma_start3A_115 = arith.constant 0 : i32
        %dma_start3A_116 = tpu.memref_slice %arg4[%add3A, %add3A_110, %dma_start3A_115] : memref<32x80x128xi32, #tpu.memory_space<hbm>> -> memref<1x1x128xi32, #tpu.memory_space<hbm>>
        %dma_start3A_117 = tpu.memref_squeeze %dma_start3A_116 : memref<1x1x128xi32, #tpu.memory_space<hbm>> -> memref<128xi32, #tpu.memory_space<hbm>>
        %dma_start3A_118 = arith.constant 0 : i32
        %dma_start3A_119 = tpu.memref_slice %arg7[%dma_start3A_111, %dma_start3A_118] : memref<2x128xi32, #tpu.memory_space<vmem>> -> memref<1x128xi32, #tpu.memory_space<vmem>>
        %dma_start3A_120 = tpu.memref_squeeze %dma_start3A_119 : memref<1x128xi32, #tpu.memory_space<vmem>> -> memref<128xi32, #tpu.memory_space<vmem>>
        %dma_start3A_121 = arith.constant 0 : i32
        %dma_start3A_122 = tpu.memref_slice %arg4[%add3A, %add3A_110, %dma_start3A_121] : memref<32x80x128xi32, #tpu.memory_space<hbm>> -> memref<1x1x128xi32, #tpu.memory_space<hbm>>
        %dma_start3A_123 = tpu.memref_squeeze %dma_start3A_122 : memref<1x1x128xi32, #tpu.memory_space<hbm>> -> memref<128xi32, #tpu.memory_space<hbm>>
        tpu.enqueue_dma source(%dma_start3A_123 : memref<128xi32, #tpu.memory_space<hbm>>) target(%dma_start3A_120 : memref<128xi32, #tpu.memory_space<vmem>>) target_semaphore(%arg12 : memref<!tpu.dma_semaphore, #tpu.memory_space<semaphore_mem>>)
      } else {
      }
      %dma_wait3A_81 = arith.constant 0 : i32
      %dma_wait3A_82 = tpu.memref_slice %arg6[%add3A_73, %dma_wait3A_81] : memref<80x128xi32, #tpu.memory_space<vmem>> -> memref<1x128xi32, #tpu.memory_space<vmem>>
      %dma_wait3A_83 = tpu.memref_squeeze %dma_wait3A_82 : memref<1x128xi32, #tpu.memory_space<vmem>> -> memref<128xi32, #tpu.memory_space<vmem>>
      %dma_wait3A_84 = arith.constant 0 : i32
      %dma_wait3A_85 = arith.constant 0 : i32
      %dma_wait3A_86 = tpu.memref_slice %arg2[%dma_wait3A_84, %dma_wait3A_85] : memref<10240x128xf32, #tpu.memory_space<hbm>> -> memref<10240x128xf32, #tpu.memory_space<hbm>>
      tpu.wait_indirect_dma semaphore(%arg11 : memref<!tpu.dma_semaphore, #tpu.memory_space<semaphore_mem>>) src(%dma_wait3A_86 : memref<10240x128xf32, #tpu.memory_space<hbm>>) dst(%arg9 : memref<128x128xf32, #tpu.memory_space<vmem>>)
      %dma_wait3A_87 = arith.constant 1 : i32
      %dma_wait3A_88 = arith.constant 0 : i32
      %dma_wait3A_89 = tpu.memref_slice %arg7[%dma_wait3A_87, %dma_wait3A_88] : memref<2x128xi32, #tpu.memory_space<vmem>> -> memref<1x128xi32, #tpu.memory_space<vmem>>
      %dma_wait3A_90 = tpu.memref_squeeze %dma_wait3A_89 : memref<1x128xi32, #tpu.memory_space<vmem>> -> memref<128xi32, #tpu.memory_space<vmem>>
      %dma_wait3A_91 = arith.constant 0 : i32
      %dma_wait3A_92 = tpu.memref_slice %arg4[%add3A, %add3A_73, %dma_wait3A_91] : memref<32x80x128xi32, #tpu.memory_space<hbm>> -> memref<1x1x128xi32, #tpu.memory_space<hbm>>
      %dma_wait3A_93 = tpu.memref_squeeze %dma_wait3A_92 : memref<1x1x128xi32, #tpu.memory_space<hbm>> -> memref<128xi32, #tpu.memory_space<hbm>>
      %dma_wait3A_94 = arith.constant 0 : i32
      %dma_wait3A_95 = tpu.memref_slice %arg7[%dma_wait3A_87, %dma_wait3A_94] : memref<2x128xi32, #tpu.memory_space<vmem>> -> memref<1x128xi32, #tpu.memory_space<vmem>>
      %dma_wait3A_96 = tpu.memref_squeeze %dma_wait3A_95 : memref<1x128xi32, #tpu.memory_space<vmem>> -> memref<128xi32, #tpu.memory_space<vmem>>
      %dma_wait3A_97 = arith.constant 0 : i32
      %dma_wait3A_98 = tpu.memref_slice %arg4[%add3A, %add3A_73, %dma_wait3A_97] : memref<32x80x128xi32, #tpu.memory_space<hbm>> -> memref<1x1x128xi32, #tpu.memory_space<hbm>>
      %dma_wait3A_99 = tpu.memref_squeeze %dma_wait3A_98 : memref<1x1x128xi32, #tpu.memory_space<hbm>> -> memref<128xi32, #tpu.memory_space<hbm>>
      tpu.wait_dma2 semaphore(%arg13 : memref<!tpu.dma_semaphore, #tpu.memory_space<semaphore_mem>>) src(%dma_wait3A_99 : memref<128xi32, #tpu.memory_space<hbm>>) dst(%dma_wait3A_96 : memref<128xi32, #tpu.memory_space<vmem>>)
      %run_scoped3A_100 = arith.constant 1 : i32
      "tpu.region"() ({
        %run_scoped3A_101 = tpu.sem_alloc : memref<!tpu.dma_semaphore, #tpu.memory_space<semaphore_mem>>
        %dma_start3A_102 = arith.constant 0 : i32
        %dma_start3A_103 = tpu.memref_slice %arg7[%run_scoped3A_100, %dma_start3A_102] : memref<2x128xi32, #tpu.memory_space<vmem>> -> memref<1x128xi32, #tpu.memory_space<vmem>>
        %dma_start3A_104 = tpu.memref_squeeze %dma_start3A_103 : memref<1x128xi32, #tpu.memory_space<vmem>> -> memref<128xi32, #tpu.memory_space<vmem>>
        %dma_start3A_105 = arith.constant 0 : i32
        %dma_start3A_106 = arith.constant 0 : i32
        %dma_start3A_107 = tpu.memref_slice %arg14[%dma_start3A_105, %dma_start3A_106] : memref<10240x128xf32, #tpu.memory_space<vmem_shared>> -> memref<10240x128xf32, #tpu.memory_space<vmem_shared>>
        tpu.enqueue_indirect_dma source(%arg9 : memref<128x128xf32, #tpu.memory_space<vmem>>) target(%dma_start3A_107 : memref<10240x128xf32, #tpu.memory_space<vmem_shared>>) offsets(%dma_start3A_104 : memref<128xi32, #tpu.memory_space<vmem>>) semaphore(%run_scoped3A_101 : memref<!tpu.dma_semaphore, #tpu.memory_space<semaphore_mem>>) {add = true}
        %dma_wait3A_108 = arith.constant 0 : i32
        %dma_wait3A_109 = tpu.memref_slice %arg7[%run_scoped3A_100, %dma_wait3A_108] : memref<2x128xi32, #tpu.memory_space<vmem>> -> memref<1x128xi32, #tpu.memory_space<vmem>>
        %dma_wait3A_110 = tpu.memref_squeeze %dma_wait3A_109 : memref<1x128xi32, #tpu.memory_space<vmem>> -> memref<128xi32, #tpu.memory_space<vmem>>
        %dma_wait3A_111 = arith.constant 0 : i32
        %dma_wait3A_112 = arith.constant 0 : i32
        %dma_wait3A_113 = tpu.memref_slice %arg14[%dma_wait3A_111, %dma_wait3A_112] : memref<10240x128xf32, #tpu.memory_space<vmem_shared>> -> memref<10240x128xf32, #tpu.memory_space<vmem_shared>>
        tpu.wait_indirect_dma semaphore(%run_scoped3A_101 : memref<!tpu.dma_semaphore, #tpu.memory_space<semaphore_mem>>) src(%arg9 : memref<128x128xf32, #tpu.memory_space<vmem>>) dst(%dma_wait3A_113 : memref<10240x128xf32, #tpu.memory_space<vmem_shared>>)
        tpu.yield
      }) : () -> ()
    }
    %scan3A_37 = arith.constant 40 : i32
    %barrier3A_38 = arith.constant 0 : index
    tpu.barrier barrier_id(%barrier3A_38)
    %mul3A_39 = arith.constant 640 : i32
    %mul3A_40 = arith.muli %arg1, %mul3A_39 : i32
    %mul3A_41 = arith.constant 640 : i32
    %mul3A_42 = arith.muli %arg1, %mul3A_41 : i32
    "tpu.region"() ({
      %run_scoped3A = tpu.sem_alloc : memref<!tpu.dma_semaphore, #tpu.memory_space<semaphore_mem>>
      %dma_start3A_43 = arith.constant 0 : i32
      %dma_start3A_44 = tpu.memref_slice %arg5[%arg0, %mul3A_42, %dma_start3A_43] : memref<2x10240x128xf32, #tpu.memory_space<hbm>> -> memref<1x640x128xf32, #tpu.memory_space<hbm>>
      %dma_start3A_45 = tpu.memref_squeeze %dma_start3A_44 : memref<1x640x128xf32, #tpu.memory_space<hbm>> -> memref<640x128xf32, #tpu.memory_space<hbm>>
      %dma_start3A_46 = arith.constant 0 : i32
      %dma_start3A_47 = tpu.memref_slice %arg14[%mul3A_40, %dma_start3A_46] : memref<10240x128xf32, #tpu.memory_space<vmem_shared>> -> memref<640x128xf32, #tpu.memory_space<vmem_shared>>
      tpu.enqueue_dma source(%dma_start3A_47 : memref<640x128xf32, #tpu.memory_space<vmem_shared>>) target(%dma_start3A_45 : memref<640x128xf32, #tpu.memory_space<hbm>>) target_semaphore(%run_scoped3A : memref<!tpu.dma_semaphore, #tpu.memory_space<semaphore_mem>>)
      %dma_wait3A = arith.constant 0 : i32
      %dma_wait3A_48 = tpu.memref_slice %arg5[%arg0, %mul3A_42, %dma_wait3A] : memref<2x10240x128xf32, #tpu.memory_space<hbm>> -> memref<1x640x128xf32, #tpu.memory_space<hbm>>
      %dma_wait3A_49 = tpu.memref_squeeze %dma_wait3A_48 : memref<1x640x128xf32, #tpu.memory_space<hbm>> -> memref<640x128xf32, #tpu.memory_space<hbm>>
      %dma_wait3A_50 = arith.constant 0 : i32
      %dma_wait3A_51 = tpu.memref_slice %arg14[%mul3A_40, %dma_wait3A_50] : memref<10240x128xf32, #tpu.memory_space<vmem_shared>> -> memref<640x128xf32, #tpu.memory_space<vmem_shared>>
      tpu.wait_dma2 semaphore(%run_scoped3A : memref<!tpu.dma_semaphore, #tpu.memory_space<semaphore_mem>>) src(%dma_wait3A_51 : memref<640x128xf32, #tpu.memory_space<vmem_shared>>) dst(%dma_wait3A_49 : memref<640x128xf32, #tpu.memory_space<hbm>>)
      tpu.yield
    }) : () -> ()
    return
  }
}

module attributes {stable_mosaic.version = 14 : i64} {
  func.func @body(%arg0: i32, %arg1: memref<2x1024x128xf32, #tpu.memory_space<vmem>>, %arg2: memref<1024x128xf32, #tpu.memory_space<vmem>>, %arg3: memref<1024x128xf32, #tpu.memory_space<vmem>>) attributes {dimension_semantics = [#tpu.dimension_semantics<arbitrary>], iteration_bounds = array<i64: 10>, scalar_prefetch = 0 : i64, scratch_operands = 0 : i64, tpu.core_type = #tpu.core_type<tc>, window_params = [{transform_indices = @transform_0, window_bounds = array<i64: 2, 1024, 128>}, {transform_indices = @transform_1, window_bounds = array<i64: 1024, 128>}, {transform_indices = @transform_2, window_bounds = array<i64: 1024, 128>}]} {
    %get3A = arith.constant 0 : index
    %get3A_0 = arith.constant 0 : index
    %get3A_1 = arith.constant 0 : index
    %get3A_2 = vector.load %arg1[%get3A, %get3A_0, %get3A_1] : memref<2x1024x128xf32, #tpu.memory_space<vmem>>, vector<1x1024x1xf32>
    %get3A_3 = vector.shape_cast %get3A_2 : vector<1x1024x1xf32> to vector<1024x1xf32>
    %get3A_4 = arith.constant 1 : index
    %get3A_5 = arith.constant 0 : index
    %get3A_6 = arith.constant 0 : index
    %get3A_7 = vector.load %arg1[%get3A_4, %get3A_5, %get3A_6] : memref<2x1024x128xf32, #tpu.memory_space<vmem>>, vector<1x1024x1xf32>
    %get3A_8 = vector.shape_cast %get3A_7 : vector<1x1024x1xf32> to vector<1024x1xf32>
    %add3A = arith.addf %get3A_3, %get3A_8 : vector<1024x1xf32>
    %get3A_9 = arith.constant 0 : index
    %get3A_10 = arith.constant 0 : index
    %get3A_11 = vector.load %arg2[%get3A_9, %get3A_10] : memref<1024x128xf32, #tpu.memory_space<vmem>>, vector<1024x128xf32>
    %rsqrt3A = math.rsqrt %add3A : vector<1024x1xf32>
    %mul3A = vector.broadcast %rsqrt3A : vector<1024x1xf32> to vector<1024x128xf32>
    %mul3A_12 = arith.mulf %get3A_11, %mul3A : vector<1024x128xf32>
    %swap3A = arith.constant 0 : index
    %swap3A_13 = arith.constant 0 : index
    %swap3A_14 = vector.load %arg3[%swap3A, %swap3A_13] : memref<1024x128xf32, #tpu.memory_space<vmem>>, vector<1024x128xf32>
    tpu.vector_store %arg3[%swap3A, %swap3A_13], %mul3A_12 {strides = array<i32>} : memref<1024x128xf32, #tpu.memory_space<vmem>>, vector<1024x128xf32>,
    return
  }
  func.func @transform_0(%arg0: i32) -> (i32, i32, i32) {
    %c0_i32 = arith.constant 0 : i32
    %c0_i32_0 = arith.constant 0 : i32
    %c0_i32_1 = arith.constant 0 : i32
    return %c0_i32, %arg0, %c0_i32_0 : i32, i32, i32
  }
  func.func @transform_1(%arg0: i32) -> (i32, i32) {
    %c0_i32 = arith.constant 0 : i32
    %c0_i32_0 = arith.constant 0 : i32
    return %arg0, %c0_i32 : i32, i32
  }
  func.func @transform_2(%arg0: i32) -> (i32, i32) {
    %c0_i32 = arith.constant 0 : i32
    %c0_i32_0 = arith.constant 0 : i32
    return %arg0, %c0_i32 : i32, i32
  }
}

module attributes {stable_mosaic.version = 14 : i64} {
  func.func @body(%arg0: i32, %arg1: memref<2x1024x128xf32, #tpu.memory_space<vmem>>, %arg2: memref<2x1024x128xf32, #tpu.memory_space<vmem>>, %arg3: memref<1024x128xf32, #tpu.memory_space<vmem>>) attributes {dimension_semantics = [#tpu.dimension_semantics<arbitrary>], iteration_bounds = array<i64: 10>, scalar_prefetch = 0 : i64, scratch_operands = 0 : i64, tpu.core_type = #tpu.core_type<tc>, window_params = [{transform_indices = @transform_0, window_bounds = array<i64: 2, 1024, 128>}, {transform_indices = @transform_1, window_bounds = array<i64: 2, 1024, 128>}, {transform_indices = @transform_2, window_bounds = array<i64: 1024, 128>}]} {
    %get3A = arith.constant 0 : index
    %get3A_0 = arith.constant 0 : index
    %get3A_1 = arith.constant 0 : index
    %get3A_2 = vector.load %arg1[%get3A, %get3A_0, %get3A_1] : memref<2x1024x128xf32, #tpu.memory_space<vmem>>, vector<1x1024x1xf32>
    %get3A_3 = vector.shape_cast %get3A_2 : vector<1x1024x1xf32> to vector<1024x1xf32>
    %get3A_4 = arith.constant 1 : index
    %get3A_5 = arith.constant 0 : index
    %get3A_6 = arith.constant 0 : index
    %get3A_7 = vector.load %arg1[%get3A_4, %get3A_5, %get3A_6] : memref<2x1024x128xf32, #tpu.memory_space<vmem>>, vector<1x1024x1xf32>
    %get3A_8 = vector.shape_cast %get3A_7 : vector<1x1024x1xf32> to vector<1024x1xf32>
    %add3A = arith.addf %get3A_3, %get3A_8 : vector<1024x1xf32>
    %rsqrt3A = math.rsqrt %add3A : vector<1024x1xf32>
    %get3A_9 = arith.constant 0 : index
    %get3A_10 = arith.constant 0 : index
    %get3A_11 = arith.constant 0 : index
    %get3A_12 = vector.load %arg2[%get3A_9, %get3A_10, %get3A_11] : memref<2x1024x128xf32, #tpu.memory_space<vmem>>, vector<1x1024x128xf32>
    %get3A_13 = vector.shape_cast %get3A_12 : vector<1x1024x128xf32> to vector<1024x128xf32>
    %get3A_14 = arith.constant 1 : index
    %get3A_15 = arith.constant 0 : index
    %get3A_16 = arith.constant 0 : index
    %get3A_17 = vector.load %arg2[%get3A_14, %get3A_15, %get3A_16] : memref<2x1024x128xf32, #tpu.memory_space<vmem>>, vector<1x1024x128xf32>
    %get3A_18 = vector.shape_cast %get3A_17 : vector<1x1024x128xf32> to vector<1024x128xf32>
    %add3A_19 = arith.addf %get3A_13, %get3A_18 : vector<1024x128xf32>
    %mul3A = arith.mulf %rsqrt3A, %rsqrt3A : vector<1024x1xf32>
    %mul3A_20 = arith.mulf %mul3A, %rsqrt3A : vector<1024x1xf32>
    %mul3A_21 = vector.broadcast %mul3A_20 : vector<1024x1xf32> to vector<1024x128xf32>
    %mul3A_22 = arith.mulf %add3A_19, %mul3A_21 : vector<1024x128xf32>
    %swap3A = arith.constant 0 : index
    %swap3A_23 = arith.constant 0 : index
    %swap3A_24 = vector.load %arg3[%swap3A, %swap3A_23] : memref<1024x128xf32, #tpu.memory_space<vmem>>, vector<1024x128xf32>
    tpu.vector_store %arg3[%swap3A, %swap3A_23], %mul3A_22 {strides = array<i32>} : memref<1024x128xf32, #tpu.memory_space<vmem>>, vector<1024x128xf32>,
    return
  }
  func.func @transform_0(%arg0: i32) -> (i32, i32, i32) {
    %c0_i32 = arith.constant 0 : i32
    %c0_i32_0 = arith.constant 0 : i32
    %c0_i32_1 = arith.constant 0 : i32
    return %c0_i32, %arg0, %c0_i32_0 : i32, i32, i32
  }
  func.func @transform_1(%arg0: i32) -> (i32, i32, i32) {
    %c0_i32 = arith.constant 0 : i32
    %c0_i32_0 = arith.constant 0 : i32
    %c0_i32_1 = arith.constant 0 : i32
    return %c0_i32, %arg0, %c0_i32_0 : i32, i32, i32
  }
  func.func @transform_2(%arg0: i32) -> (i32, i32) {
    %c0_i32 = arith.constant 0 : i32
    %c0_i32_0 = arith.constant 0 : i32
    return %arg0, %c0_i32 : i32, i32
  }
}

</mosaic_0001>

<sc_bundles>
// kernel: kernel.6.cloned.1.call-start
scs
__scs_entry_jumppad:
0x0: {  	(pc) =	sbr.rel $0x88, $3  }
0x1: {  	(tag) =	ssettag $0x0;
	lr =	simm.s32 $0x1  }
0x2: {  	[smem:$0x3F9F] =	sst lr;
	_ =	strace $0xD0000000  }
0x3: {  	_ = 	snop  }
0x4: {  	_ = 	snop  }
0x5: {  	_ = 	snop  }
0x6: {  	_ = 	snop  }
0x7: {  	_ = 	snop  }
__scs_overlays_trampoline_lowered:
0x8: {  	[smem:$0x3FAE] =	sst s0  }
0x9: {  	[smem:$0x3FAF] =	sst s1  }
0xa: {  	[smem:$0x3FB0] =	sst s2  }
0xb: {  	[smem:$0x3FB1] =	sst s3  }
0xc: {  	[smem:$0x3FB2] =	sst s4  }
0xd: {  	[smem:$0x3FB3] =	sst s5  }
0xe: {  	[smem:$0x3FB4] =	sst s6  }
0xf: {  	[smem:$0x3FB5] =	sst s7  }
0x10: {  	[smem:$0x3FB6] =	sst s8  }
0x11: {  	[smem:$0x3FB7] =	sst s9;
	s0 =	simm.s32 @!p0 $0x0  }
0x12: {  	s1 =	sld [smem:$0x3F9D];
	s0 =	simm.s32 @p0 $0x1  }
0x13: {  	[smem:$0x3FB8] =	sst s0;
	s0 =	simm.s32 @!p1 $0x0  }
0x14: {  	s2 =	sld [smem:$0x3F9C];
	s0 =	simm.s32 @p1 $0x1  }
0x15: {  	[smem:$0x3FB9] =	sst s0;
	s0 =	simm.s32 @!p2 $0x0  }
0x16: {  	s3 =	sld [smem:$0x3FDB];
	s0 =	simm.s32 @p2 $0x1  }
0x17: {  	s4 =	simm.s32 $0x1BF5;
	[smem:$0x3FBB] =	sst s0  }
0x18: {  	s0 =	sld [smem:$0x3F9E];
	_ =	swait.ge [sflag:s4], $0x0  }
0x19: {  	s7 =	sld [smem:$0x3F9F]  }
0x1a: {  	s8 =	sadd.s32 $0xFFFFE003, lr  }
0x1b: {  	s9 =	sadd.s32 $0xFFFFFEF7, lr;
	s5 =	simm.s32 $0xFFFFFFFF;
	p2 =	slt.u32 s8, $0xFFFFF086  }
0x1c: {  	p1 =	slt.u32 s9, $0xF7A;
	s5 =	simm.s32 @!p2 $0x0  }
0x1d: {  	s5 =	simm.s32 @p1 $0x1;
	p0 =	seq.s32 s7, s2  }
0x1e: {  	s7 =	smul.u32 @!p0 $0xF7A, s2;
	p2 =	seq.s32 @!p0 s5, $0x0  }
0x1f: {  	s9 =	smul.u32 $0xF7A, s1;
	s8 =	simm.s32 @!p0 $0x1BF5;
	p2 =	por !p2, p0  }
0x20: {  	[sflag:s8] =	ssyncset.s32 @!p0 $0xFFFFF086;
	s6 =	sadd.s32 @!p0 s3, s7;
	s7 =	simm.s32 @!p0 $0x108  }
0x21: {  	s3 =	sadd.s32 s3, s9;
	s6 =	sadd.s32 @!p0 $0x88, s6;
	s7 =	simm.s32 @p2 $0x1082  }
0x22: {  	[simem:s7], [sflag:s8] =	dma.local @!p0 [hbm:s6], $0xF7A  }
0x23: {  	s9 =	sor.u32 $0xD0000000, s2;
	s6 =	simm.s32 $0x108;
	_ =	swait.ge @!p0 [sflag:s8], $0x0  }
0x24: {  	s3 =	sadd.s32 $0x88, s3;
	s6 =	simm.s32 @!p1 $0x1082;
	[sflag:s4] =	ssyncset.s32 $0xFFFFF086  }
0x25: {  	[simem:s6], [sflag:s4] =	dma.local [hbm:s3], $0xF7A  }
0x26: {  	[smem:$0x3F9F] =	sst s1;
	(tag) =	ssettag s2;
	_ =	strace s9  }
0x27: {  	s1 =	sld [smem:$0x3FAF]  }
0x28: {  	s2 =	sld [smem:$0x3FB0]  }
0x29: {  	s4 =	sld [smem:$0x3FB2]  }
0x2a: {  	p0 =	seq.s32 s5, $0x0;
	s5 =	sld [smem:$0x3FB3]  }
0x2b: {  	s6 =	sld [smem:$0x3FB4]  }
0x2c: {  	s7 =	sld [smem:$0x3FB5]  }
0x2d: {  	s3 =	simm.s32 $0x108;
	s8 =	sld [smem:$0x3FB6]  }
0x2e: {  	s3 =	simm.s32 @!p0 $0x1082;
	s9 =	sld [smem:$0x3FB7]  }
0x2f: {  	lr =	sadd.s32 s0, s3;
	s0 =	sld [smem:$0x3FAE]  }
0x30: {  	s3 =	sld [smem:$0x3FB1]  }
0x31: {  	[smem:$0x3FBA] =	sst s10  }
0x32: {  	s10 =	sld [smem:$0x3FB8];
	_ =	sdelay $0x3  }
0x33: {  	p0 =	seq.s32 s10, $0x1;
	s10 =	sld [smem:$0x3FBA];
	_ =	sdelay $0x3  }
0x34: {  	[smem:$0x3FBA] =	sst s10  }
0x35: {  	s10 =	sld [smem:$0x3FB9];
	_ =	sdelay $0x3  }
0x36: {  	p1 =	seq.s32 s10, $0x1;
	s10 =	sld [smem:$0x3FBA];
	_ =	sdelay $0x3  }
0x37: {  	[smem:$0x3FBA] =	sst s10  }
0x38: {  	s10 =	sld [smem:$0x3FBB]  }
0x39: {  	_ = 	snop;
	(pc) =	sbr.ind lr, $3  }
0x3a: {  	_ = 	snop  }
0x3b: {  	_ = 	snop  }
0x3c: {  	p2 =	seq.s32 s10, $0x1;
	s10 =	sld [smem:$0x3FBA]  }
0x3d: {  	_ =	shalt  }
0x3e: {  	_ =	shalt  }
0x3f: {  	_ =	shalt  }
0x40: {  	_ =	shalt  }
0x41: {  	_ =	shalt  }
0x42: {  	_ =	shalt  }
0x43: {  	_ =	shalt  }
0x44: {  	_ =	shalt  }
0x45: {  	_ =	shalt  }
0x46: {  	_ =	shalt  }
0x47: {  	_ =	shalt  }
0x48: {  	_ =	shalt  }
0x49: {  	_ =	shalt  }
0x4a: {  	_ =	shalt  }
0x4b: {  	_ =	shalt  }
0x4c: {  	_ =	shalt  }
0x4d: {  	_ =	shalt  }
0x4e: {  	_ =	shalt  }
0x4f: {  	_ =	shalt  }
0x50: {  	_ =	shalt  }
0x51: {  	_ =	shalt  }
0x52: {  	_ =	shalt  }
0x53: {  	_ =	shalt  }
0x54: {  	_ =	shalt  }
0x55: {  	_ =	shalt  }
0x56: {  	_ =	shalt  }
0x57: {  	_ =	shalt  }
0x58: {  	_ =	shalt  }
0x59: {  	_ =	shalt  }
0x5a: {  	_ =	shalt  }
0x5b: {  	_ =	shalt  }
0x5c: {  	_ =	shalt  }
0x5d: {  	_ =	shalt  }
0x5e: {  	_ =	shalt  }
0x5f: {  	_ =	shalt  }
0x60: {  	_ =	shalt  }
0x61: {  	_ =	shalt  }
0x62: {  	_ =	shalt  }
0x63: {  	_ =	shalt  }
0x64: {  	_ =	shalt  }
0x65: {  	_ =	shalt  }
0x66: {  	_ =	shalt  }
0x67: {  	_ =	shalt  }
0x68: {  	_ =	shalt  }
0x69: {  	_ =	shalt  }
0x6a: {  	_ =	shalt  }
0x6b: {  	_ =	shalt  }
0x6c: {  	_ =	shalt  }
0x6d: {  	_ =	shalt  }
0x6e: {  	_ =	shalt  }
0x6f: {  	_ =	shalt  }
0x70: {  	_ =	shalt  }
0x71: {  	_ =	shalt  }
0x72: {  	_ =	shalt  }
0x73: {  	_ =	shalt  }
0x74: {  	_ =	shalt  }
0x75: {  	_ =	shalt  }
0x76: {  	_ =	shalt  }
0x77: {  	_ =	shalt  }
0x78: {  	_ =	shalt  }
0x79: {  	_ =	shalt  }
0x7a: {  	_ =	shalt  }
0x7b: {  	_ =	shalt  }
0x7c: {  	_ =	shalt  }
0x7d: {  	_ =	shalt  }
0x7e: {  	_ =	shalt  }
0x7f: {  	_ =	shalt  }
0x80: {  	_ =	shalt  }
0x81: {  	_ =	shalt  }
0x82: {  	_ =	shalt  }
0x83: {  	_ =	shalt  }
0x84: {  	_ =	shalt  }
0x85: {  	_ =	shalt  }
0x86: {  	_ =	shalt  }
0x87: {  	_ =	shalt  }
.Lfunc_end0:
.L_simem_size_0:
called_computation_lowered:
.L_overlay_start_0:
0x88: {  	s2 =	sld [smem:$0x3FD9]  }
0x89: {  	s3 =	sld [smem:$0x3FFE];
	_ =	sdelay $0x1  }
0x8a: {  	s1 =	srdreg.scid  }
0x8b: {  	s0 =	sand.u32 $0x1, s1  }
0x8c: {  	s17 =	sshll.u32 s0, $0xA;
	s2 =	sadd.s32 s3, s2  }
0x8d: {  	s2 =	sadd.s32 s2, s17  }
0x8e: {  	[smem:$0x3FC6] =	sst s2  }
0x8f: {  	_ = 	snop  }
0x90: {  	s2 =	sld [smem:$0x3FD0];
	(tm) =	ssettm $0x1  }
0x91: {  	s18 =	sld [smem:$0x3FFB];
	_ =	sdelay $0x3  }
0x92: {  	_ =	strace s18  }
0x93: {  	s3 =	sld [smem:$0x3FFC];
	_ =	sdelay $0x3  }
0x94: {  	_ =	strace s3  }
0x95: {  	s3 =	sld [smem:$0x3FFD];
	_ =	sdelay $0x3  }
0x96: {  	_ =	strace s3  }
0x97: {  	_ =	strace $0x8FFFFFFF  }
0x98: {  	s19 =	sld [smem:$0x3FDB];
	_ =	sdelay $0x1  }
0x99: {  	s4 =	simm.s32 $_scs_section_size  }
0x9a: {  	s5 =	simm.s32 $_size__tile_overlayer_lowered;
	s6 =	simm.s32 $_tile_overlayer_lowered  }
0x9b: {  	s22 =	simm.s32 $0x1BFF;
	s21 =	sshll.u32 s6, $0x1;
	s3 =	sadd.s32 s4, s19  }
0x9c: {  	s7 =	simm.s32 $0x0;
	s20 =	sshll.u32 s5, $0x1;
	s5 =	sadd.s32 s21, s3  }
0x9d: {  	[timem:s7], [sflag:s22] =	dma.local [hbm:s5], s20  }
0x9e: {  	_ =	swait.ge [sflag:s22], s20  }
0x9f: {  	s4 =	ssub.s32 $0x0, s20;
	[sflag:s22] =	ssyncset.done $0x0  }
0xa0: {  	[sflag:s22] =	ssyncadd.s32 s4;
	_ =	sdelay $0x1  }
0xa1: {  	s23 =	simm.s32 $0x1B8B  }
0xa2: {  	_ =	swait.ge [sflag:s23], $0x1  }
0xa3: {  	[sflag:s23] =	ssyncset.done $0x0  }
0xa4: {  	s25 =	simm.s32 $0x1B8E;
	s24 =	sld [smem:$0x3FFE];
	[sflag:s23] =	ssyncadd.s32 $0xFFFFFFFF  }
0xa5: {  	s26 =	simm.s32 $execute0_lowered;
	[smem:$0x3FD2] =	sst s25  }
0xa6: {  	s5 =	sshll.u32 s26, $0x1;
	_ =	strace $0x80000046;
	[dreg:$0x1] =	wrdreg $0xFFFFFFFF  }
0xa7: {  	s28 =	simm.s32 $_size_execute0_lowered;
	s3 =	sadd.s32 s3, s5;
	[dreg:$0x0] =	wrdreg $0x0  }
0xa8: {  	s5 =	sshll.u32 s28, $0x1;
	[dreg:$0x2] =	wrdreg s3  }
0xa9: {  	[dreg:$0x3] =	wrdreg s5  }
0xaa: {  	[dreg:$0x4] =	wrdreg $0xC0  }
0xab: {  	_ =	task [dreg:s7], $0x5FFFF  }
0xac: {  	[dreg:$0x1] =	wrdreg $0xFFFFFFFF  }
0xad: {  	[dreg:$0x0] =	wrdreg $0x60  }
0xae: {  	[dreg:$0x2] =	wrdreg s2  }
0xaf: {  	[dreg:$0x3] =	wrdreg s24  }
0xb0: {  	[dreg:$0x4] =	wrdreg $0x68000  }
0xb1: {  	[dreg:$0x5] =	wrdreg $0x9  }
0xb2: {  	_ =	task.clear_ibuf [dreg:s7], $0x6FFFF;
	_ =	strace $0x90000046  }
0xb3: {  	s29 =	simm.s32 $0x9;
	_ =	strace $0x80000048  }
0xb4: {  	_ =	swait.ge [sflag:s29], $0x1  }
0xb5: {  	[sflag:s29] =	ssyncadd.s32 $0xFFFFFFFF  }
0xb6: {  	_ =	strace $0x90000048  }
0xb7: {  	_ =	sfence  }
0xb8: {  	s30 =	sld [smem:$0x0];
	_ =	sdelay $0x2  }
0xb9: {  	s31 =	sshll.u32 s1, $0xD;
	s1 =	sshrl.u32 s1, $0x2  }
0xba: {  	s3 =	sand.u32 $0x4000, s31;
	s1 =	sadd.s32 s1, s30  }
0xbb: {  	s0 =	sor.u32 s3, s0;
	s1 =	sshll.u32 s1, $0x11  }
0xbc: {  	s0 =	sor.u32 s1, s0  }
0xbd: {  	s0 =	sadd.s32 $0x8F2B, s0  }
0xbe: {  	[sflag:s0] =	ssyncadd.remote.s32 $0x1  }
0xbf: {  	_ =	sfence.sel $0xFFFF  }
0xc0: {  	[dreg:$0x0] =	wrdreg $0xFFFFFFFF;
	(pc) =	sbr.abs _section_cstart, $3  }
0xc1: {  	[dreg:$0x1] =	wrdreg $0xFFFFFFFF  }
0xc2: {  	_ =	task.clear_ibuf [dreg:s7], $0x2FFFF;
	_ =	strace $0x9FFFFFFF  }
0xc3: {  	(tm) =	ssettm $0x7FFFFFFF  }
tec
execute0_lowered:
.L_overlay_start_1:
0x0: {  	(tag) =	ssettag $0x1  }
0x1: {  	s5 =	rddreg [dreg:$0x0]  }
0x2: {  	s4 =	rddreg [dreg:$0x1];
	s0 =	srdreg.scid  }
0x3: {  	s2 =	rddreg [dreg:$0x2];
	s1 =	stileid.u32  }
0x4: {  	s3 =	simm.s32 $0x0;
	s12 =	simm.s32 $0x2800;
	s13 =	simm.s32 $0x2  }
0x5: {  	s14 =	simm.s32 $0x80;
	s15 =	simm.s32 $0x100;
	s16 =	simm.s32 $0x180  }
0x6: {  	s17 =	simm.s32 $0x1;
	s20 =	simm.s32 $0x0;
	s8 =	smul.u32 $0x14000, s1  }
0x7: {  	s6 =	sand.u32 $0x1, s0;
	s0 =	rddreg [dreg:$0x3];
	s9 =	smul.u32 $0x50000, s1  }
0x8: {  	[smem:$0x7FF] =	sst s3;
	s18 =	sshll.u32 s1, $0x6;
	s7 =	smul.u32 $0x140000, s6  }
0x9: {  	_ =	strace $0x80000047;
	s30 =	sshll.u32 s6, $0x4;
	s6 =	ssub.s32 $0x2, s6  }
0xa: {  	s18 =	sor.u32 $0x1C02, s18;
	s7 =	sadd.s32 s8, s7;
	s8 =	sor.u32 s1, s30  }
0xb: {  	s10 =	sshrl.u32 s6, $0x1;
	s7 =	sshrl.u32 s7, $0x3;
	s8 =	smul.u32 $0x500, s8  }
0xc: {  	s31 =	sshrl.u32 s9, $0x2;
	s10 =	ssub.s32 s6, s10;
	s7 =	sadd.s32 s7, s4  }
0xd: {  	s4 =	sadd.s32 s31, s2;
	s5 =	sadd.s32 s5, s8;
	s6 =	sadd.s32 $0xAE00, s7  }
0xe: {  	s7 =	smax.u32 s10, $0x1;
	s8 =	sadd.s32 $0x4000, s4;
	s9 =	sadd.s32 $0x8000, s4  }
0xf: {  	v0 =	vimm.f32 $0.0e+00;
	v1 =	vimm.f32 $1.000000000e+00;
	s10 =	sadd.s32 $0xC000, s4;
	s11 =	sadd.s32 $0x10000, s4;
	s19 =	sshrl.u32 s4, $0x3  }
.LBB2_1:
0x10: {  	s21 =	sand.u32 $0xFE00, s3  }
0x11: {  	s22 =	sand.u32 $0x70, s3;
	s23 =	sshrl.u32 s21, $0x2  }
0x12: {  	s21 =	simm.s32 $0x40;
	s23 =	sor.u32 s22, s23;
	s22 =	simm.s32 $0x0  }
.LBB2_2:
0x13: {  	p0 =	sne.s32 s21, $0xFFC0  }
0x14: {  	[tilespmem:s23+$0x2800] =	vst v0;
	s22 =	sadd.s32 $0x10, s22;
	s23 =	smov.u32 s21;
	s21 =	sadd.s32 $0x40, s21  }
.Ltmp0:
0x15: {  	(pc) =	sbr.rel @p0 .LBB2_2-.Ltmp0, $4  }
0x16: {  	_ = 	snop  }
0x17: {  	s23 =	sand.u32 $0xFE00, s23  }
0x18: {  	s24 =	sand.u32 $0x70, s22;
	s23 =	sshrl.u32 s23, $0x2  }
0x19: {  	s23 =	sor.u32 s24, s23  }
0x1a: {  	[tilespmem:s23+$0x2800] =	vst v0  }
0x1b: {  	[spmem:s4] =	stream.linear.scatter [tilespmem:s12], [sflag:$0x2], $0x4000, $0x38;
	[tilespmem:$0x1A800] =	vst v63  }
0x1c: {  	_ =	swait.ge [sflag:s13], $0x4000  }
0x1d: {  	[sflag:s13] =	ssyncset.done $0x0  }
0x1e: {  	[sflag:s13] =	ssyncadd.s32 $0xFFFFC000  }
0x1f: {  	[spmem:s8] =	stream.linear.scatter [tilespmem:s12], [sflag:$0x2], $0x4000, $0x38;
	[tilespmem:$0x1A800] =	vst v63  }
0x20: {  	_ =	swait.ge [sflag:s13], $0x4000  }
0x21: {  	[sflag:s13] =	ssyncset.done $0x0  }
0x22: {  	[sflag:s13] =	ssyncadd.s32 $0xFFFFC000  }
0x23: {  	[spmem:s9] =	stream.linear.scatter [tilespmem:s12], [sflag:$0x2], $0x4000, $0x38;
	[tilespmem:$0x1A800] =	vst v63  }
0x24: {  	_ =	swait.ge [sflag:s13], $0x4000  }
0x25: {  	[sflag:s13] =	ssyncset.done $0x0  }
0x26: {  	[sflag:s13] =	ssyncadd.s32 $0xFFFFC000  }
0x27: {  	[spmem:s10] =	stream.linear.scatter [tilespmem:s12], [sflag:$0x2], $0x4000, $0x38;
	[tilespmem:$0x1A800] =	vst v63  }
0x28: {  	_ =	swait.ge [sflag:s13], $0x4000  }
0x29: {  	[sflag:s13] =	ssyncset.done $0x0  }
0x2a: {  	s21 =	simm.s32 $0x0;
	[sflag:s13] =	ssyncadd.s32 $0xFFFFC000  }
0x2b: {  	[spmem:s11] =	stream.linear.scatter [tilespmem:s12], [sflag:$0x2], $0x4000, $0x38;
	[tilespmem:$0x1A800] =	vst v63  }
0x2c: {  	s22 =	sand.u32 $0xFE00, s21;
	_ =	swait.ge [sflag:s13], $0x4000  }
0x2d: {  	s31 =	sand.u32 $0x70, s21;
	s24 =	sshrl.u32 s22, $0x2;
	[sflag:s13] =	ssyncset.done $0x0  }
0x2e: {  	s22 =	simm.s32 $0x40;
	s23 =	sor.u32 s31, s24;
	[sflag:s13] =	ssyncadd.s32 $0xFFFFC000  }
.LBB2_4:
0x2f: {  	p0 =	sne.s32 s22, $0xFFC0  }
0x30: {  	[tilespmem:s23+$0x2800] =	vst v1;
	s21 =	sadd.s32 $0x10, s21;
	s23 =	smov.u32 s22;
	s22 =	sadd.s32 $0x40, s22  }
.Ltmp1:
0x31: {  	(pc) =	sbr.rel @p0 .LBB2_4-.Ltmp1, $4  }
0x32: {  	_ = 	snop  }
0x33: {  	s23 =	sand.u32 $0xFE00, s23  }
0x34: {  	s24 =	sand.u32 $0x70, s21;
	s23 =	sshrl.u32 s23, $0x2  }
0x35: {  	s23 =	sor.u32 s24, s23  }
0x36: {  	[tilespmem:s23+$0x2800] =	vst v1  }
0x37: {  	[bflag:$0x0] =	sbarrier.arrive $0xFFFF  }
0x38: {  	[tilespmem:s3], [sflag:$0x2] =	stream.linear.gather [hbm4b:s5+s3], $0x2800, $0x38;
	[tilespmem:$0x1A800] =	vst v63  }
0x39: {  	_ =	swait.ge [sflag:s13], $0x2800  }
0x3a: {  	[sflag:s13] =	ssyncset.done $0x0  }
0x3b: {  	[sflag:s13] =	ssyncadd.s32 $0xFFFFD800  }
0x3c: {  	[spmem:s2] =	stream.indirect.scatter.add.f32 [tilespmem:s12], [sflag:$0x1], $0x80, s3, s14, $0xb8;
	[tilespmem:$0x1A800] =	vst v63  }
0x3d: {  	_ = 	snop  }
0x3e: {  	[spmem:s2] =	stream.indirect.scatter.add.f32 [tilespmem:s12], [sflag:$0x1], $0x80, s14, s14, $0xb8;
	[tilespmem:$0x1A800] =	vst v63  }
0x3f: {  	_ = 	snop  }
0x40: {  	[spmem:s2] =	stream.indirect.scatter.add.f32 [tilespmem:s12], [sflag:$0x1], $0x80, s15, s14, $0xb8;
	[tilespmem:$0x1A800] =	vst v63  }
0x41: {  	_ = 	snop  }
0x42: {  	[spmem:s2] =	stream.indirect.scatter.add.f32 [tilespmem:s12], [sflag:$0x1], $0x80, s16, s14, $0xb8;
	[tilespmem:$0x1A800] =	vst v63  }
0x43: {  	_ =	swait.ge [sflag:s17], $0x4000  }
0x44: {  	[sflag:s17] =	ssyncset.done $0x0  }
0x45: {  	s21 =	simm.s32 $0xA00;
	s22 =	simm.s32 $0x200;
	[sflag:s17] =	ssyncadd.s32 $0xFFFFC000  }
.LBB2_6:
0x46: {  	[spmem:s2] =	stream.indirect.scatter.add.f32 [tilespmem:s12], [sflag:$0x1], $0x80, s22, s14, $0xb8;
	[tilespmem:$0x1A800] =	vst v63  }
0x47: {  	s22 =	smov.u32 s21;
	p0 =	sne.s32 s21, $0x9E00  }
.Ltmp2:
0x48: {  	s21 =	sadd.s32 $0x200, s21;
	(pc) =	sbr.rel @p0 .LBB2_6-.Ltmp2, $4  }
0x49: {  	_ = 	snop  }
0x4a: {  	_ =	swait.ge [sflag:s17], $0x4000  }
0x4b: {  	[sflag:s17] =	ssyncset.done $0x0  }
0x4c: {  	s22 =	sshra.s32 s22, $0x2;
	[sflag:s17] =	ssyncadd.s32 $0xFFFFC000  }
0x4d: {  	[spmem:s2] =	stream.indirect.scatter.add.f32 [tilespmem:s12], [sflag:$0x1], $0x80, s22, s14, $0xb8;
	[tilespmem:$0x1A800] =	vst v63  }
0x4e: {  	_ =	swait.ge [sflag:s17], $0x4000  }
0x4f: {  	[sflag:s17] =	ssyncset.done $0x0  }
0x50: {  	[sflag:s17] =	ssyncadd.s32 $0xFFFFC000  }
0x51: {  	_ =	swait.ge [sflag:s17], $0x4000  }
0x52: {  	[sflag:s17] =	ssyncset.done $0x0  }
0x53: {  	[sflag:s17] =	ssyncadd.s32 $0xFFFFC000  }
0x54: {  	_ =	swait.ge [sflag:s17], $0x4000  }
0x55: {  	[sflag:s17] =	ssyncset.done $0x0  }
0x56: {  	[sflag:s17] =	ssyncadd.s32 $0xFFFFC000  }
0x57: {  	_ =	swait.ge [sflag:s17], $0x4000  }
0x58: {  	s20 =	sadd.s32 $0x1, s20;
	[sflag:s17] =	ssyncset.done $0x0  }
0x59: {  	p0 =	sne.s32 s20, s7;
	[sflag:s17] =	ssyncadd.s32 $0xFFFFC000  }
.Ltmp3:
0x5a: {  	[bflag:$0x0] =	sbarrier.arrive $0xFFFF;
	(pc) =	sbr.rel @p0 .LBB2_1-.Ltmp3, $4  }
0x5b: {  	[hbm:s6], [sflag:s18] =	dma.local [spmem:s19], $0x2800  }
0x5c: {  	_ =	swait.ge [sflag:s13], $0x2800  }
0x5d: {  	[sflag:s13] =	ssyncset.done $0x0  }
0x5e: {  	[sflag:s13] =	ssyncadd.s32 $0xFFFFD800  }
0x5f: {  	_ =	sfence.sel $0x180000  }
0x60: {  	[bflag:$0x0] =	sbarrier.arrive $0xFFFF  }
0x61: {  	p0 =	sne.s32 s1, $0x0;
	_ =	strace $0x90000047  }
0x62: {  	s0 =	sadd.s32 @!p0 $0x100000, s0;
	[bflag:$0x2] =	sbarrier.arrive $0xFFFF  }
0x63: {  	[sflag:s0] =	ssyncadd.tile.s32 @!p0 $0x1;
	_ =	shalt  }
.Lfunc_end2:
_tile_overlayer_lowered:
.L_overlay_start_2:
0x64: {  	(tag) =	ssettag $0x2  }
0x65: {  	s0 =	rddreg [dreg:$0x0];
	s2 =	stileid.u32  }
0x66: {  	s1 =	rddreg [dreg:$0x1];
	p0 =	sne.s32 s2, $0x0  }
0x67: {  	s3 =	rddreg [dreg:$0x2];
	[bflag:$0x3] =	sbarrier.arrive $0xFFFF;
	s2 =	simm.s32 @!p0 $0x1C02  }
0x68: {  	[timem:s3], [sflag:s2] =	dma.local @!p0 [hbm:s0], s1  }
0x69: {  	s0 =	simm.s32 @!p0 $0x2  }
0x6a: {  	_ =	swait.ge @!p0 [sflag:s0], s1  }
0x6b: {  	s1 =	ssub.s32 @!p0 $0x0, s1;
	[sflag:s0] =	ssyncset.done @!p0 $0x0  }
0x6c: {  	[sflag:s0] =	ssyncadd.s32 @!p0 s1  }
0x6d: {  	[bflag:$0x3] =	sbarrier.arrive $0xFFFF  }
0x6e: {  	_ =	shalt  }

// kernel: kernel.9.cloned.1.call-start
scs
__scs_entry_jumppad:
0x0: {  	(pc) =	sbr.rel $0x88, $3  }
0x1: {  	(tag) =	ssettag $0x0;
	lr =	simm.s32 $0x1  }
0x2: {  	[smem:$0x3F9F] =	sst lr;
	_ =	strace $0xD0000000  }
0x3: {  	_ = 	snop  }
0x4: {  	_ = 	snop  }
0x5: {  	_ = 	snop  }
0x6: {  	_ = 	snop  }
0x7: {  	_ = 	snop  }
__scs_overlays_trampoline_lowered:
0x8: {  	[smem:$0x3FAE] =	sst s0  }
0x9: {  	[smem:$0x3FAF] =	sst s1  }
0xa: {  	[smem:$0x3FB0] =	sst s2  }
0xb: {  	[smem:$0x3FB1] =	sst s3  }
0xc: {  	[smem:$0x3FB2] =	sst s4  }
0xd: {  	[smem:$0x3FB3] =	sst s5  }
0xe: {  	[smem:$0x3FB4] =	sst s6  }
0xf: {  	[smem:$0x3FB5] =	sst s7  }
0x10: {  	[smem:$0x3FB6] =	sst s8  }
0x11: {  	[smem:$0x3FB7] =	sst s9;
	s0 =	simm.s32 @!p0 $0x0  }
0x12: {  	s1 =	sld [smem:$0x3F9D];
	s0 =	simm.s32 @p0 $0x1  }
0x13: {  	[smem:$0x3FB8] =	sst s0;
	s0 =	simm.s32 @!p1 $0x0  }
0x14: {  	s2 =	sld [smem:$0x3F9C];
	s0 =	simm.s32 @p1 $0x1  }
0x15: {  	[smem:$0x3FB9] =	sst s0;
	s0 =	simm.s32 @!p2 $0x0  }
0x16: {  	s3 =	sld [smem:$0x3FDB];
	s0 =	simm.s32 @p2 $0x1  }
0x17: {  	s4 =	simm.s32 $0x1BF5;
	[smem:$0x3FBB] =	sst s0  }
0x18: {  	s0 =	sld [smem:$0x3F9E];
	_ =	swait.ge [sflag:s4], $0x0  }
0x19: {  	s7 =	sld [smem:$0x3F9F]  }
0x1a: {  	s8 =	sadd.s32 $0xFFFFE003, lr  }
0x1b: {  	s9 =	sadd.s32 $0xFFFFFEF7, lr;
	s5 =	simm.s32 $0xFFFFFFFF;
	p2 =	slt.u32 s8, $0xFFFFF086  }
0x1c: {  	p1 =	slt.u32 s9, $0xF7A;
	s5 =	simm.s32 @!p2 $0x0  }
0x1d: {  	s5 =	simm.s32 @p1 $0x1;
	p0 =	seq.s32 s7, s2  }
0x1e: {  	s7 =	smul.u32 @!p0 $0xF7A, s2;
	p2 =	seq.s32 @!p0 s5, $0x0  }
0x1f: {  	s9 =	smul.u32 $0xF7A, s1;
	s8 =	simm.s32 @!p0 $0x1BF5;
	p2 =	por !p2, p0  }
0x20: {  	[sflag:s8] =	ssyncset.s32 @!p0 $0xFFFFF086;
	s6 =	sadd.s32 @!p0 s3, s7;
	s7 =	simm.s32 @!p0 $0x108  }
0x21: {  	s3 =	sadd.s32 s3, s9;
	s6 =	sadd.s32 @!p0 $0x88, s6;
	s7 =	simm.s32 @p2 $0x1082  }
0x22: {  	[simem:s7], [sflag:s8] =	dma.local @!p0 [hbm:s6], $0xF7A  }
0x23: {  	s9 =	sor.u32 $0xD0000000, s2;
	s6 =	simm.s32 $0x108;
	_ =	swait.ge @!p0 [sflag:s8], $0x0  }
0x24: {  	s3 =	sadd.s32 $0x88, s3;
	s6 =	simm.s32 @!p1 $0x1082;
	[sflag:s4] =	ssyncset.s32 $0xFFFFF086  }
0x25: {  	[simem:s6], [sflag:s4] =	dma.local [hbm:s3], $0xF7A  }
0x26: {  	[smem:$0x3F9F] =	sst s1;
	(tag) =	ssettag s2;
	_ =	strace s9  }
0x27: {  	s1 =	sld [smem:$0x3FAF]  }
0x28: {  	s2 =	sld [smem:$0x3FB0]  }
0x29: {  	s4 =	sld [smem:$0x3FB2]  }
0x2a: {  	p0 =	seq.s32 s5, $0x0;
	s5 =	sld [smem:$0x3FB3]  }
0x2b: {  	s6 =	sld [smem:$0x3FB4]  }
0x2c: {  	s7 =	sld [smem:$0x3FB5]  }
0x2d: {  	s3 =	simm.s32 $0x108;
	s8 =	sld [smem:$0x3FB6]  }
0x2e: {  	s3 =	simm.s32 @!p0 $0x1082;
	s9 =	sld [smem:$0x3FB7]  }
0x2f: {  	lr =	sadd.s32 s0, s3;
	s0 =	sld [smem:$0x3FAE]  }
0x30: {  	s3 =	sld [smem:$0x3FB1]  }
0x31: {  	[smem:$0x3FBA] =	sst s10  }
0x32: {  	s10 =	sld [smem:$0x3FB8];
	_ =	sdelay $0x3  }
0x33: {  	p0 =	seq.s32 s10, $0x1;
	s10 =	sld [smem:$0x3FBA];
	_ =	sdelay $0x3  }
0x34: {  	[smem:$0x3FBA] =	sst s10  }
0x35: {  	s10 =	sld [smem:$0x3FB9];
	_ =	sdelay $0x3  }
0x36: {  	p1 =	seq.s32 s10, $0x1;
	s10 =	sld [smem:$0x3FBA];
	_ =	sdelay $0x3  }
0x37: {  	[smem:$0x3FBA] =	sst s10  }
0x38: {  	s10 =	sld [smem:$0x3FBB]  }
0x39: {  	_ = 	snop;
	(pc) =	sbr.ind lr, $3  }
0x3a: {  	_ = 	snop  }
0x3b: {  	_ = 	snop  }
0x3c: {  	p2 =	seq.s32 s10, $0x1;
	s10 =	sld [smem:$0x3FBA]  }
0x3d: {  	_ =	shalt  }
0x3e: {  	_ =	shalt  }
0x3f: {  	_ =	shalt  }
0x40: {  	_ =	shalt  }
0x41: {  	_ =	shalt  }
0x42: {  	_ =	shalt  }
0x43: {  	_ =	shalt  }
0x44: {  	_ =	shalt  }
0x45: {  	_ =	shalt  }
0x46: {  	_ =	shalt  }
0x47: {  	_ =	shalt  }
0x48: {  	_ =	shalt  }
0x49: {  	_ =	shalt  }
0x4a: {  	_ =	shalt  }
0x4b: {  	_ =	shalt  }
0x4c: {  	_ =	shalt  }
0x4d: {  	_ =	shalt  }
0x4e: {  	_ =	shalt  }
0x4f: {  	_ =	shalt  }
0x50: {  	_ =	shalt  }
0x51: {  	_ =	shalt  }
0x52: {  	_ =	shalt  }
0x53: {  	_ =	shalt  }
0x54: {  	_ =	shalt  }
0x55: {  	_ =	shalt  }
0x56: {  	_ =	shalt  }
0x57: {  	_ =	shalt  }
0x58: {  	_ =	shalt  }
0x59: {  	_ =	shalt  }
0x5a: {  	_ =	shalt  }
0x5b: {  	_ =	shalt  }
0x5c: {  	_ =	shalt  }
0x5d: {  	_ =	shalt  }
0x5e: {  	_ =	shalt  }
0x5f: {  	_ =	shalt  }
0x60: {  	_ =	shalt  }
0x61: {  	_ =	shalt  }
0x62: {  	_ =	shalt  }
0x63: {  	_ =	shalt  }
0x64: {  	_ =	shalt  }
0x65: {  	_ =	shalt  }
0x66: {  	_ =	shalt  }
0x67: {  	_ =	shalt  }
0x68: {  	_ =	shalt  }
0x69: {  	_ =	shalt  }
0x6a: {  	_ =	shalt  }
0x6b: {  	_ =	shalt  }
0x6c: {  	_ =	shalt  }
0x6d: {  	_ =	shalt  }
0x6e: {  	_ =	shalt  }
0x6f: {  	_ =	shalt  }
0x70: {  	_ =	shalt  }
0x71: {  	_ =	shalt  }
0x72: {  	_ =	shalt  }
0x73: {  	_ =	shalt  }
0x74: {  	_ =	shalt  }
0x75: {  	_ =	shalt  }
0x76: {  	_ =	shalt  }
0x77: {  	_ =	shalt  }
0x78: {  	_ =	shalt  }
0x79: {  	_ =	shalt  }
0x7a: {  	_ =	shalt  }
0x7b: {  	_ =	shalt  }
0x7c: {  	_ =	shalt  }
0x7d: {  	_ =	shalt  }
0x7e: {  	_ =	shalt  }
0x7f: {  	_ =	shalt  }
0x80: {  	_ =	shalt  }
0x81: {  	_ =	shalt  }
0x82: {  	_ =	shalt  }
0x83: {  	_ =	shalt  }
0x84: {  	_ =	shalt  }
0x85: {  	_ =	shalt  }
0x86: {  	_ =	shalt  }
0x87: {  	_ =	shalt  }
.Lfunc_end0:
.L_simem_size_0:
called_computation.1_lowered:
.L_overlay_start_0:
0x88: {  	s2 =	sld [smem:$0x3FD9]  }
0x89: {  	s3 =	sld [smem:$0x3FFE];
	_ =	sdelay $0x1  }
0x8a: {  	s1 =	srdreg.scid  }
0x8b: {  	s0 =	sand.u32 $0x1, s1  }
0x8c: {  	s17 =	sshll.u32 s0, $0xA;
	s2 =	sadd.s32 s3, s2  }
0x8d: {  	s2 =	sadd.s32 s2, s17  }
0x8e: {  	[smem:$0x3FC6] =	sst s2  }
0x8f: {  	_ = 	snop  }
0x90: {  	s2 =	sld [smem:$0x3FD0];
	(tm) =	ssettm $0x1  }
0x91: {  	s18 =	sld [smem:$0x3FFB];
	_ =	sdelay $0x3  }
0x92: {  	_ =	strace s18  }
0x93: {  	s3 =	sld [smem:$0x3FFC];
	_ =	sdelay $0x3  }
0x94: {  	_ =	strace s3  }
0x95: {  	s3 =	sld [smem:$0x3FFD];
	_ =	sdelay $0x3  }
0x96: {  	_ =	strace s3  }
0x97: {  	_ =	strace $0x8FFFFFFF  }
0x98: {  	s19 =	sld [smem:$0x3FDB];
	_ =	sdelay $0x1  }
0x99: {  	s4 =	simm.s32 $_scs_section_size  }
0x9a: {  	s5 =	simm.s32 $_size__tile_overlayer_lowered;
	s6 =	simm.s32 $_tile_overlayer_lowered  }
0x9b: {  	s22 =	simm.s32 $0x1BFF;
	s21 =	sshll.u32 s6, $0x1;
	s3 =	sadd.s32 s4, s19  }
0x9c: {  	s7 =	simm.s32 $0x0;
	s20 =	sshll.u32 s5, $0x1;
	s5 =	sadd.s32 s21, s3  }
0x9d: {  	[timem:s7], [sflag:s22] =	dma.local [hbm:s5], s20  }
0x9e: {  	_ =	swait.ge [sflag:s22], s20  }
0x9f: {  	s4 =	ssub.s32 $0x0, s20;
	[sflag:s22] =	ssyncset.done $0x0  }
0xa0: {  	[sflag:s22] =	ssyncadd.s32 s4;
	_ =	sdelay $0x1  }
0xa1: {  	s23 =	simm.s32 $0x1B8B  }
0xa2: {  	_ =	swait.ge [sflag:s23], $0x1  }
0xa3: {  	[sflag:s23] =	ssyncset.done $0x0  }
0xa4: {  	s25 =	simm.s32 $0x1B8E;
	s24 =	sld [smem:$0x3FFE];
	[sflag:s23] =	ssyncadd.s32 $0xFFFFFFFF  }
0xa5: {  	s26 =	simm.s32 $execute0_lowered;
	[smem:$0x3FD2] =	sst s25  }
0xa6: {  	s5 =	sshll.u32 s26, $0x1;
	_ =	strace $0x80000049;
	[dreg:$0x1] =	wrdreg $0xFFFFFFFF  }
0xa7: {  	s28 =	simm.s32 $_size_execute0_lowered;
	s3 =	sadd.s32 s3, s5;
	[dreg:$0x0] =	wrdreg $0x0  }
0xa8: {  	s5 =	sshll.u32 s28, $0x1;
	[dreg:$0x2] =	wrdreg s3  }
0xa9: {  	[dreg:$0x3] =	wrdreg s5  }
0xaa: {  	[dreg:$0x4] =	wrdreg $0xC0  }
0xab: {  	_ =	task [dreg:s7], $0x5FFFF  }
0xac: {  	[dreg:$0x1] =	wrdreg $0xFFFFFFFF  }
0xad: {  	[dreg:$0x0] =	wrdreg $0x60  }
0xae: {  	[dreg:$0x2] =	wrdreg s24  }
0xaf: {  	[dreg:$0x3] =	wrdreg s2  }
0xb0: {  	[dreg:$0x4] =	wrdreg $0xA9000  }
0xb1: {  	[dreg:$0x5] =	wrdreg $0x9  }
0xb2: {  	_ =	task.clear_ibuf [dreg:s7], $0x6FFFF;
	_ =	strace $0x90000049  }
0xb3: {  	s29 =	simm.s32 $0x9;
	_ =	strace $0x8000004B  }
0xb4: {  	_ =	swait.ge [sflag:s29], $0x1  }
0xb5: {  	[sflag:s29] =	ssyncadd.s32 $0xFFFFFFFF  }
0xb6: {  	_ =	strace $0x9000004B  }
0xb7: {  	_ =	sfence  }
0xb8: {  	s30 =	sld [smem:$0x0];
	_ =	sdelay $0x2  }
0xb9: {  	s31 =	sshll.u32 s1, $0xD;
	s1 =	sshrl.u32 s1, $0x2  }
0xba: {  	s3 =	sand.u32 $0x4000, s31;
	s1 =	sadd.s32 s1, s30  }
0xbb: {  	s0 =	sor.u32 s3, s0;
	s1 =	sshll.u32 s1, $0x11  }
0xbc: {  	s0 =	sor.u32 s1, s0  }
0xbd: {  	s0 =	sadd.s32 $0x8F2B, s0  }
0xbe: {  	[sflag:s0] =	ssyncadd.remote.s32 $0x1  }
0xbf: {  	_ =	sfence.sel $0xFFFF  }
0xc0: {  	[dreg:$0x0] =	wrdreg $0xFFFFFFFF;
	(pc) =	sbr.abs _section_cstart, $3  }
0xc1: {  	[dreg:$0x1] =	wrdreg $0xFFFFFFFF  }
0xc2: {  	_ =	task.clear_ibuf [dreg:s7], $0x2FFFF;
	_ =	strace $0x9FFFFFFF  }
0xc3: {  	(tm) =	ssettm $0x7FFFFFFF  }
tec
execute0_lowered:
.L_overlay_start_1:
0x0: {  	(tag) =	ssettag $0x1  }
0x1: {  	s1 =	rddreg [dreg:$0x0]  }
0x2: {  	s0 =	srdreg.scid;
	s2 =	rddreg [dreg:$0x1]  }
0x3: {  	s10 =	stileid.u32;
	s3 =	rddreg [dreg:$0x2];
	s17 =	simm.s32 $0x2900  }
0x4: {  	s18 =	simm.s32 $0x5;
	s19 =	simm.s32 $0x2800;
	s20 =	simm.s32 $0x80  }
0x5: {  	s21 =	simm.s32 $0x6900;
	s22 =	simm.s32 $0x2880;
	s23 =	simm.s32 $0x1  }
0x6: {  	s24 =	simm.s32 $0x3;
	s25 =	simm.s32 $0x2;
	s26 =	simm.s32 $0x4  }
0x7: {  	s29 =	simm.s32 $0x0;
	s0 =	sand.u32 $0x1, s0;
	s8 =	smul.u32 $0x14000, s10  }
0x8: {  	s6 =	sadd.s32 $0xAE00, s1;
	s4 =	sshll.u32 s0, $0x4;
	s7 =	smul.u32 $0x140000, s0  }
0x9: {  	s0 =	ssub.s32 $0x2, s0;
	s5 =	sor.u32 s10, s4;
	s10 =	smul.u32 $0x50000, s10  }
0xa: {  	s4 =	simm.s32 $0x0;
	s30 =	sshrl.u32 s0, $0x1;
	s5 =	smul.u32 $0x2800, s5  }
0xb: {  	[smem:$0x7FF] =	sst s4;
	s7 =	sadd.s32 s8, s7;
	s0 =	ssub.s32 s0, s30  }
0xc: {  	_ =	strace $0x8000004A;
	s7 =	sshrl.u32 s7, $0x3;
	s9 =	sshrl.u32 s5, $0x3  }
0xd: {  	s10 =	sshrl.u32 s10, $0x2;
	s11 =	sadd.s32 s9, s1;
	s1 =	sadd.s32 s7, s1  }
0xe: {  	s7 =	sadd.s32 s10, s3;
	s9 =	sadd.s32 s2, s9;
	s31 =	sadd.s32 $0xE00, s11  }
0xf: {  	s1 =	sadd.s32 $0x32E00, s1;
	s11 =	smax.u32 s0, $0x1;
	s12 =	sadd.s32 $0x4000, s7  }
0x10: {  	s13 =	sadd.s32 $0x8000, s7;
	s14 =	sadd.s32 $0xC000, s7;
	[dreg:$0x4] =	wrdreg s31  }
0x11: {  	v0 =	vimm.f32 $0.0e+00;
	s15 =	sadd.s32 $0x10000, s7;
	s16 =	sadd.s32 $0x4F0, s9;
	[dreg:$0x5] =	wrdreg s1  }
.LBB2_1:
0x12: {  	s0 =	sand.u32 $0xFE00, s4  }
0x13: {  	s1 =	sand.u32 $0x70, s4;
	s8 =	sshrl.u32 s0, $0x2  }
0x14: {  	s0 =	simm.s32 $0x40;
	s8 =	sor.u32 s1, s8;
	s1 =	simm.s32 $0x0  }
.LBB2_2:
0x15: {  	p0 =	sne.s32 s0, $0xFFC0  }
0x16: {  	[tilespmem:s8+$0x2900] =	vst v0;
	s1 =	sadd.s32 $0x10, s1;
	s8 =	smov.u32 s0;
	s0 =	sadd.s32 $0x40, s0  }
.Ltmp0:
0x17: {  	(pc) =	sbr.rel @p0 .LBB2_2-.Ltmp0, $4  }
0x18: {  	_ = 	snop  }
0x19: {  	s8 =	sand.u32 $0xFE00, s8  }
0x1a: {  	s28 =	sand.u32 $0x70, s1;
	s8 =	sshrl.u32 s8, $0x2  }
0x1b: {  	s8 =	sor.u32 s28, s8  }
0x1c: {  	[tilespmem:s8+$0x2900] =	vst v0  }
0x1d: {  	[spmem:s7] =	stream.linear.scatter [tilespmem:s17], [sflag:$0x5], $0x4000, $0x38;
	[tilespmem:$0x1E900] =	vst v63  }
0x1e: {  	_ =	swait.ge [sflag:s18], $0x4000  }
0x1f: {  	[sflag:s18] =	ssyncset.done $0x0  }
0x20: {  	[sflag:s18] =	ssyncadd.s32 $0xFFFFC000  }
0x21: {  	[spmem:s12] =	stream.linear.scatter [tilespmem:s17], [sflag:$0x5], $0x4000, $0x38;
	[tilespmem:$0x1E900] =	vst v63  }
0x22: {  	_ =	swait.ge [sflag:s18], $0x4000  }
0x23: {  	[sflag:s18] =	ssyncset.done $0x0  }
0x24: {  	[sflag:s18] =	ssyncadd.s32 $0xFFFFC000  }
0x25: {  	[spmem:s13] =	stream.linear.scatter [tilespmem:s17], [sflag:$0x5], $0x4000, $0x38;
	[tilespmem:$0x1E900] =	vst v63  }
0x26: {  	_ =	swait.ge [sflag:s18], $0x4000  }
0x27: {  	[sflag:s18] =	ssyncset.done $0x0  }
0x28: {  	[sflag:s18] =	ssyncadd.s32 $0xFFFFC000  }
0x29: {  	[spmem:s14] =	stream.linear.scatter [tilespmem:s17], [sflag:$0x5], $0x4000, $0x38;
	[tilespmem:$0x1E900] =	vst v63  }
0x2a: {  	_ =	swait.ge [sflag:s18], $0x4000  }
0x2b: {  	[sflag:s18] =	ssyncset.done $0x0  }
0x2c: {  	[sflag:s18] =	ssyncadd.s32 $0xFFFFC000  }
0x2d: {  	[spmem:s15] =	stream.linear.scatter [tilespmem:s17], [sflag:$0x5], $0x4000, $0x38;
	[tilespmem:$0x1E900] =	vst v63  }
0x2e: {  	_ =	swait.ge [sflag:s18], $0x4000  }
0x2f: {  	[sflag:s18] =	ssyncset.done $0x0  }
0x30: {  	[sflag:s18] =	ssyncadd.s32 $0xFFFFC000  }
0x31: {  	[bflag:$0x0] =	sbarrier.arrive $0xFFFF  }
0x32: {  	s0 =	rddreg [dreg:$0x4]  }
0x33: {  	[tilespmem:s4], [sflag:$0x5] =	stream.linear.gather [hbm4b:s0+s4], $0x2800, $0x38;
	[tilespmem:$0x1E900] =	vst v63  }
0x34: {  	s1 =	simm.s32 $0x0;
	s10 =	simm.s32 $0x80;
	_ =	swait.ge [sflag:s18], $0x2800  }
0x35: {  	s1 =	sand.u32 $0x3C00, s1;
	s8 =	sand.u32 $0x380, s10;
	[sflag:s18] =	ssyncset.done $0x0  }
0x36: {  	s1 =	sadd.s32 s5, s1;
	s0 =	simm.s32 $0x80;
	[sflag:s18] =	ssyncadd.s32 $0xFFFFD800  }
0x37: {  	[tilespmem:s17], [sflag:$0x1] =	stream.indirect.gather [hbm4b:s6+s0], $0x80, s4, s0, $0xb8;
	[tilespmem:$0x1E900] =	vst v63  }
0x38: {  	s1 =	sor.u32 s1, s8  }
0x39: {  	[tilespmem:s19], [sflag:$0x3] =	stream.linear.gather [hbm4b:s9+s4], $0x80, $0x38;
	[tilespmem:$0x1E900] =	vst v63  }
0x3a: {  	s1 =	sshrl.u32 s1, $0x3  }
0x3b: {  	[tilespmem:s21], [sflag:$0x2] =	stream.indirect.gather [hbm4b:s6+s20], $0x80, s0, s20, $0xb8;
	[tilespmem:$0x1E900] =	vst v63  }
0x3c: {  	s8 =	sadd.s32 s2, s1  }
0x3d: {  	[tilespmem:s22], [sflag:$0x4] =	stream.linear.gather [hbm4b:s8+s4], $0x80, $0x38;
	[tilespmem:$0x1E900] =	vst v63  }
0x3e: {  	_ =	swait.ge [sflag:s23], $0x4000  }
0x3f: {  	[sflag:s23] =	ssyncset.done $0x0  }
0x40: {  	[sflag:s23] =	ssyncadd.s32 $0xFFFFC000  }
0x41: {  	_ =	swait.ge [sflag:s24], $0x80  }
0x42: {  	s10 =	simm.s32 $0x100;
	[sflag:s24] =	ssyncset.done $0x0  }
0x43: {  	s8 =	sand.u32 $0x7C00, s10;
	[sflag:s24] =	ssyncadd.s32 $0xFFFFFF80  }
0x44: {  	[spmem:s3] =	stream.indirect.scatter.add.f32 [tilespmem:s17], [sflag:$0x5], $0x80, s19, s20, $0xb8;
	[tilespmem:$0x1E900] =	vst v63  }
0x45: {  	s0 =	sand.u32 $0x300, s10;
	s1 =	sadd.s32 s5, s8;
	_ =	swait.ge [sflag:s18], $0x4000  }
0x46: {  	s0 =	sor.u32 s0, s1;
	[sflag:s18] =	ssyncset.done $0x0  }
0x47: {  	s10 =	simm.s32 $0x100;
	s0 =	sshrl.u32 s0, $0x3;
	[sflag:s18] =	ssyncadd.s32 $0xFFFFC000  }
0x48: {  	[tilespmem:s17], [sflag:$0x1] =	stream.indirect.gather [hbm4b:s6+s20], $0x80, s10, s20, $0xb8;
	[tilespmem:$0x1E900] =	vst v63  }
0x49: {  	s0 =	sadd.s32 s2, s0  }
0x4a: {  	[tilespmem:s19], [sflag:$0x3] =	stream.linear.gather [hbm4b:s0+s4], $0x80, $0x38;
	[tilespmem:$0x1E900] =	vst v63  }
0x4b: {  	_ =	swait.ge [sflag:s25], $0x4000  }
0x4c: {  	s31 =	simm.s32 $0x200;
	s30 =	simm.s32 $0x180;
	[sflag:s25] =	ssyncset.done $0x0  }
0x4d: {  	s8 =	simm.s32 $0x180;
	s10 =	simm.s32 $0x100;
	[sflag:s25] =	ssyncadd.s32 $0xFFFFC000  }
0x4e: {  	s1 =	simm.s32 $0x300;
	s28 =	sand.u32 $0x3C00, s10;
	_ =	swait.ge [sflag:s26], $0x80  }
.LBB2_4:
0x4f: {  	s28 =	sadd.s32 s5, s28  }
0x50: {  	s8 =	sand.u32 $0x380, s8;
	[sflag:s26] =	ssyncset.done $0x0;
	s10 =	smov.u32 s1  }
0x51: {  	s0 =	sadd.s32 $0x100, s1;
	s8 =	sor.u32 s28, s8;
	[sflag:s26] =	ssyncadd.s32 $0xFFFFFF80  }
0x52: {  	[spmem:s3] =	stream.indirect.scatter.add.f32 [tilespmem:s21], [sflag:$0x5], $0x80, s22, s20, $0xb8;
	[tilespmem:$0x1E900] =	vst v63  }
0x53: {  	p0 =	sne.s32 s1, $0x2700;
	s1 =	sshrl.u32 s8, $0x3;
	_ =	swait.ge [sflag:s18], $0x4000  }
0x54: {  	[sflag:s18] =	ssyncset.done $0x0  }
0x55: {  	[sflag:s18] =	ssyncadd.s32 $0xFFFFC000  }
0x56: {  	[tilespmem:s21], [sflag:$0x2] =	stream.indirect.gather [hbm4b:s6+s20], $0x80, s30, s20, $0xb8;
	[tilespmem:$0x1E900] =	vst v63  }
0x57: {  	s1 =	sadd.s32 s2, s1  }
0x58: {  	[tilespmem:s22], [sflag:$0x4] =	stream.linear.gather [hbm4b:s1+s4], $0x80, $0x38;
	[tilespmem:$0x1E900] =	vst v63  }
0x59: {  	_ =	swait.ge [sflag:s23], $0x4000  }
0x5a: {  	[sflag:s23] =	ssyncset.done $0x0  }
0x5b: {  	[sflag:s23] =	ssyncadd.s32 $0xFFFFC000  }
0x5c: {  	_ =	swait.ge [sflag:s24], $0x80  }
0x5d: {  	[sflag:s24] =	ssyncset.done $0x0  }
0x5e: {  	[sflag:s24] =	ssyncadd.s32 $0xFFFFFF80  }
0x5f: {  	[spmem:s3] =	stream.indirect.scatter.add.f32 [tilespmem:s17], [sflag:$0x5], $0x80, s19, s20, $0xb8;
	[tilespmem:$0x1E900] =	vst v63  }
0x60: {  	s1 =	sand.u32 $0x7C00, s31;
	_ =	swait.ge [sflag:s18], $0x4000  }
0x61: {  	s8 =	sand.u32 $0x300, s31;
	s1 =	sadd.s32 s5, s1;
	[sflag:s18] =	ssyncset.done $0x0  }
0x62: {  	s28 =	sadd.s32 $0x80, s30;
	s1 =	sor.u32 s8, s1;
	[sflag:s18] =	ssyncadd.s32 $0xFFFFC000  }
0x63: {  	[tilespmem:s17], [sflag:$0x1] =	stream.indirect.gather [hbm4b:s6+s20], $0x80, s28, s20, $0xb8;
	[tilespmem:$0x1E900] =	vst v63  }
0x64: {  	s31 =	smov.u32 s10;
	s1 =	sshrl.u32 s1, $0x3  }
0x65: {  	s1 =	sadd.s32 s2, s1  }
0x66: {  	[tilespmem:s19], [sflag:$0x3] =	stream.linear.gather [hbm4b:s1+s4], $0x80, $0x38;
	[tilespmem:$0x1E900] =	vst v63  }
.Ltmp1:
0x67: {  	_ = 	snop;
	(pc) =	sbr.rel @p0 .LBB2_4-.Ltmp1, $4  }
0x68: {  	_ =	swait.ge [sflag:s25], $0x4000  }
0x69: {  	s30 =	sadd.s32 $0x100, s30;
	[sflag:s25] =	ssyncset.done $0x0  }
0x6a: {  	s8 =	sadd.s32 $0xFFFFFF80, s31;
	s1 =	sadd.s32 $0xFFFFFF00, s31;
	[sflag:s25] =	ssyncadd.s32 $0xFFFFC000  }
0x6b: {  	s28 =	sand.u32 $0x3C00, s1;
	s1 =	smov.u32 s0;
	_ =	swait.ge [sflag:s26], $0x80  }
0x6c: {  	[sflag:s26] =	ssyncset.done $0x0  }
0x6d: {  	[sflag:s26] =	ssyncadd.s32 $0xFFFFFF80  }
0x6e: {  	[spmem:s3] =	stream.indirect.scatter.add.f32 [tilespmem:s21], [sflag:$0x5], $0x80, s22, s20, $0xb8;
	[tilespmem:$0x1E900] =	vst v63  }
0x6f: {  	s0 =	sadd.s32 s5, s28;
	s1 =	sand.u32 $0x380, s8;
	_ =	swait.ge [sflag:s18], $0x4000  }
0x70: {  	s0 =	sor.u32 s0, s1;
	[sflag:s18] =	ssyncset.done $0x0  }
0x71: {  	s0 =	sshrl.u32 s0, $0x3;
	[sflag:s18] =	ssyncadd.s32 $0xFFFFC000  }
0x72: {  	[tilespmem:s21], [sflag:$0x2] =	stream.indirect.gather [hbm4b:s6+s20], $0x80, s30, s20, $0xb8;
	[tilespmem:$0x1E900] =	vst v63  }
0x73: {  	s0 =	sadd.s32 s2, s0  }
0x74: {  	[tilespmem:s22], [sflag:$0x4] =	stream.linear.gather [hbm4b:s0+s4], $0x80, $0x38;
	[tilespmem:$0x1E900] =	vst v63  }
0x75: {  	_ =	swait.ge [sflag:s23], $0x4000  }
0x76: {  	[sflag:s23] =	ssyncset.done $0x0  }
0x77: {  	[sflag:s23] =	ssyncadd.s32 $0xFFFFC000  }
0x78: {  	_ =	swait.ge [sflag:s24], $0x80  }
0x79: {  	[sflag:s24] =	ssyncset.done $0x0  }
0x7a: {  	s10 =	sand.u32 $0x7C00, s31;
	[sflag:s24] =	ssyncadd.s32 $0xFFFFFF80  }
0x7b: {  	[spmem:s3] =	stream.indirect.scatter.add.f32 [tilespmem:s17], [sflag:$0x5], $0x80, s19, s20, $0xb8;
	[tilespmem:$0x1E900] =	vst v63  }
0x7c: {  	s28 =	sand.u32 $0x300, s31;
	s0 =	sadd.s32 s5, s10;
	_ =	swait.ge [sflag:s18], $0x4000  }
0x7d: {  	s0 =	sor.u32 s28, s0;
	[sflag:s18] =	ssyncset.done $0x0  }
0x7e: {  	s31 =	sadd.s32 $0x80, s30;
	s0 =	sshrl.u32 s0, $0x3;
	[sflag:s18] =	ssyncadd.s32 $0xFFFFC000  }
0x7f: {  	[tilespmem:s17], [sflag:$0x1] =	stream.indirect.gather [hbm4b:s6+s20], $0x80, s31, s20, $0xb8;
	[tilespmem:$0x1E900] =	vst v63  }
0x80: {  	s0 =	sadd.s32 s2, s0  }
0x81: {  	[tilespmem:s19], [sflag:$0x3] =	stream.linear.gather [hbm4b:s0+s4], $0x80, $0x38;
	[tilespmem:$0x1E900] =	vst v63  }
0x82: {  	_ =	swait.ge [sflag:s25], $0x4000  }
0x83: {  	[sflag:s25] =	ssyncset.done $0x0  }
0x84: {  	[sflag:s25] =	ssyncadd.s32 $0xFFFFC000  }
0x85: {  	_ =	swait.ge [sflag:s26], $0x80  }
0x86: {  	[sflag:s26] =	ssyncset.done $0x0  }
0x87: {  	[sflag:s26] =	ssyncadd.s32 $0xFFFFFF80  }
0x88: {  	[spmem:s3] =	stream.indirect.scatter.add.f32 [tilespmem:s21], [sflag:$0x5], $0x80, s22, s20, $0xb8;
	[tilespmem:$0x1E900] =	vst v63  }
0x89: {  	_ =	swait.ge [sflag:s18], $0x4000  }
0x8a: {  	[sflag:s18] =	ssyncset.done $0x0  }
0x8b: {  	s10 =	simm.s32 $0x2780;
	[sflag:s18] =	ssyncadd.s32 $0xFFFFC000  }
0x8c: {  	[tilespmem:s21], [sflag:$0x2] =	stream.indirect.gather [hbm4b:s6+s20], $0x80, s10, s20, $0xb8;
	[tilespmem:$0x1E900] =	vst v63  }
0x8d: {  	_ = 	snop  }
0x8e: {  	[tilespmem:s22], [sflag:$0x4] =	stream.linear.gather [hbm4b:s16+s4], $0x80, $0x38;
	[tilespmem:$0x1E900] =	vst v63  }
0x8f: {  	_ =	swait.ge [sflag:s23], $0x4000  }
0x90: {  	[sflag:s23] =	ssyncset.done $0x0  }
0x91: {  	[sflag:s23] =	ssyncadd.s32 $0xFFFFC000  }
0x92: {  	_ =	swait.ge [sflag:s24], $0x80  }
0x93: {  	[sflag:s24] =	ssyncset.done $0x0  }
0x94: {  	[sflag:s24] =	ssyncadd.s32 $0xFFFFFF80  }
0x95: {  	[spmem:s3] =	stream.indirect.scatter.add.f32 [tilespmem:s17], [sflag:$0x5], $0x80, s19, s20, $0xb8;
	[tilespmem:$0x1E900] =	vst v63  }
0x96: {  	_ =	swait.ge [sflag:s18], $0x4000  }
0x97: {  	[sflag:s18] =	ssyncset.done $0x0  }
0x98: {  	[sflag:s18] =	ssyncadd.s32 $0xFFFFC000  }
0x99: {  	_ =	swait.ge [sflag:s25], $0x4000  }
0x9a: {  	[sflag:s25] =	ssyncset.done $0x0  }
0x9b: {  	[sflag:s25] =	ssyncadd.s32 $0xFFFFC000  }
0x9c: {  	_ =	swait.ge [sflag:s26], $0x80  }
0x9d: {  	[sflag:s26] =	ssyncset.done $0x0  }
0x9e: {  	[sflag:s26] =	ssyncadd.s32 $0xFFFFFF80  }
0x9f: {  	[spmem:s3] =	stream.indirect.scatter.add.f32 [tilespmem:s21], [sflag:$0x5], $0x80, s22, s20, $0xb8;
	[tilespmem:$0x1E900] =	vst v63  }
0xa0: {  	_ =	swait.ge [sflag:s18], $0x4000  }
0xa1: {  	s29 =	sadd.s32 $0x1, s29;
	[sflag:s18] =	ssyncset.done $0x0  }
0xa2: {  	p0 =	sne.s32 s29, s11;
	s28 =	stileid.u32;
	[sflag:s18] =	ssyncadd.s32 $0xFFFFC000  }
0xa3: {  	s30 =	sshrl.u32 s7, $0x3;
	s0 =	sshll.u32 s28, $0x6;
	[bflag:$0x0] =	sbarrier.arrive $0xFFFF  }
.Ltmp2:
0xa4: {  	s0 =	sor.u32 $0x1C05, s0;
	s31 =	rddreg [dreg:$0x5];
	(pc) =	sbr.rel @p0 .LBB2_1-.Ltmp2, $4  }
0xa5: {  	[hbm:s31], [sflag:s0] =	dma.local [spmem:s30], $0x2800  }
0xa6: {  	_ =	swait.ge [sflag:s18], $0x2800  }
0xa7: {  	[sflag:s18] =	ssyncset.done $0x0  }
0xa8: {  	[sflag:s18] =	ssyncadd.s32 $0xFFFFD800  }
0xa9: {  	_ =	sfence.sel $0x180000  }
0xaa: {  	[bflag:$0x0] =	sbarrier.arrive $0xFFFF  }
0xab: {  	_ =	strace $0x9000004A  }
0xac: {  	s0 =	stileid.u32;
	[bflag:$0x2] =	sbarrier.arrive $0xFFFF  }
0xad: {  	p0 =	sne.s32 s0, $0x0;
	s0 =	rddreg [dreg:$0x3]  }
0xae: {  	s0 =	sadd.s32 @!p0 $0x100000, s0  }
0xaf: {  	[sflag:s0] =	ssyncadd.tile.s32 @!p0 $0x1;
	_ =	shalt  }
.Lfunc_end2:
_tile_overlayer_lowered:
.L_overlay_start_2:
0xb0: {  	(tag) =	ssettag $0x2  }
0xb1: {  	s0 =	rddreg [dreg:$0x0];
	s2 =	stileid.u32  }
0xb2: {  	s1 =	rddreg [dreg:$0x1];
	p0 =	sne.s32 s2, $0x0  }
0xb3: {  	s3 =	rddreg [dreg:$0x2];
	[bflag:$0x3] =	sbarrier.arrive $0xFFFF;
	s2 =	simm.s32 @!p0 $0x1C05  }
0xb4: {  	[timem:s3], [sflag:s2] =	dma.local @!p0 [hbm:s0], s1  }
0xb5: {  	s0 =	simm.s32 @!p0 $0x5  }
0xb6: {  	_ =	swait.ge @!p0 [sflag:s0], s1  }
0xb7: {  	s1 =	ssub.s32 @!p0 $0x0, s1;
	[sflag:s0] =	ssyncset.done @!p0 $0x0  }
0xb8: {  	[sflag:s0] =	ssyncadd.s32 @!p0 s1  }
0xb9: {  	[bflag:$0x3] =	sbarrier.arrive $0xFFFF  }
0xba: {  	_ =	shalt  }

</sc_bundles>
